<compile_context>
chip_gen: v7x
topology: tpu7x:2x2x1
jax: 0.10.2.dev20260603
libtpu: 0.0.44.dev20260713+nightly
codegen_flags: <defaults>
</compile_context>

<pallas_src>
import jax
import jax.numpy as jnp
from jax.experimental import pallas as pl
from jax.experimental.pallas import tpu as pltpu

D_MODEL = 32
CLIP = 128
NUM_EMB = 2 * CLIP + 1
LQ = 2048
LKV = 2048
ROW128 = LKV * D_MODEL // 128
E2F_ROWS = 4096 * D_MODEL // 128
BQ = 32


def _band_kernel(e2f_ref, out_ref):
    base = pl.program_id(0) * BQ
    for r in range(BQ):
        g = base + r
        lane_off = ((-r) % 4) * 32
        q = (LQ - g) // 4
        if lane_off == 0:
            out_ref[r] = e2f_ref[pl.ds(q, ROW128), :]
        else:
            a = e2f_ref[pl.ds(q, ROW128), :]
            b = e2f_ref[pl.ds(q + 1, ROW128), :]
            ra = pltpu.roll(a, 128 - lane_off, axis=1)
            rb = pltpu.roll(b, 128 - lane_off, axis=1)
            lane = jax.lax.broadcasted_iota(jnp.int32, (ROW128, 128), 1)
            out_ref[r] = jnp.where(lane < 128 - lane_off, ra, rb)


def kernel(length_q, length_kv, embedding):
    del length_q, length_kv
    top = jnp.broadcast_to(embedding[0:1, :], (1920, D_MODEL))
    bot = jnp.broadcast_to(embedding[NUM_EMB - 1:NUM_EMB, :], (1920, D_MODEL))
    e2f = jnp.concatenate([top, embedding[0:256, :], bot], axis=0).reshape(
        E2F_ROWS, 128
    )
    out = pl.pallas_call(
        _band_kernel,
        grid=(LQ // BQ,),
        in_specs=[pl.BlockSpec((E2F_ROWS, 128), lambda i: (0, 0))],
        out_specs=pl.BlockSpec((BQ, ROW128, 128), lambda i: (i, 0, 0)),
        out_shape=jax.ShapeDtypeStruct((LQ, ROW128, 128), jnp.float32),
    )(e2f)
    return out.reshape(LQ, LKV, D_MODEL)

# --- scband reference (transcript-rebuilt; emitter-appended) ---
"""Pipeline reference for scband-relative-positional-embedding-489626272119 (READ-ONLY COPY).

The authoritative reference and input builder live on the scoring server;
editing this copy changes nothing except your own understanding.
"""

import jax, jax.numpy as jnp
import numpy as np

D_MODEL = 32
CLIP = 128
LENGTH_Q = 2048
LENGTH_KV = 2048


def setup_inputs(seed: int = 0) -> dict:
    key = jax.random.key(seed)
    num_emb = 2 * CLIP + 1
    # xavier_uniform init: bound = sqrt(6 / (fan_in + fan_out))
    bound = float(np.sqrt(6.0 / (num_emb + D_MODEL)))
    embedding = jax.random.uniform(key, (num_emb, D_MODEL), dtype=jnp.float32,
                                   minval=-bound, maxval=bound)
    return {"length_q": 2048, "length_kv": 2048, "embedding": embedding}


def reference(length_q, length_kv, embedding):
    indices_q = jnp.arange(LENGTH_Q) + length_q * 0
    indices_k = jnp.arange(LENGTH_KV) + length_kv * 0
    distance_matrix = indices_k[None, :] - indices_q[:, None]
    distance_matrix_clipped = jnp.clip(distance_matrix, -CLIP, CLIP)
    final_matrix = (distance_matrix_clipped + CLIP).astype(jnp.int32)
    embeddings = jnp.take(embedding, final_matrix, axis=0)
    return embeddings

if __name__ == "__main__":
    import jax
    _d = setup_inputs()
    print(jax.jit(kernel)(*tuple(_d.values())))

</pallas_src>

<mosaic_0001>
module attributes {stable_mosaic.version = 14 : i64} {
  func.func @_band_kernel(%arg0: i32, %arg1: memref<1024x128xf32, #tpu.memory_space<vmem>>, %arg2: memref<32x512x128xf32, #tpu.memory_space<vmem>>) attributes {dimension_semantics = [#tpu.dimension_semantics<arbitrary>], iteration_bounds = array<i64: 64>, scalar_prefetch = 0 : i64, scratch_operands = 0 : i64, tpu.core_type = #tpu.core_type<tc>, window_params = [{pipeline_mode = #tpu.pipeline_mode<synchronous>, transform_indices = @transform_0, window_bounds = array<i64: 1024, 128>}, {transform_indices = @transform_1, window_bounds = array<i64: 32, 512, 128>}]} {
    %mul3A = arith.constant 32 : i32
    %mul3A_0 = arith.muli %arg0, %mul3A : i32
    %add3A = arith.constant 0 : i32
    %add3A_1 = arith.addi %mul3A_0, %add3A : i32
    %sub3A = arith.constant 2048 : i32
    %sub3A_2 = arith.subi %sub3A, %add3A_1 : i32
    %jit3A = arith.constant 4 : i32
    %div3A = arith.divsi %sub3A_2, %jit3A : i32
    %sign3A = arith.constant 0 : i32
    %sign3A_3 = arith.cmpi sgt, %sub3A_2, %sign3A : i32
    %sign3A_4 = arith.extui %sign3A_3 : i1 to i32
    %sign3A_5 = arith.constant 0 : i32
    %sign3A_6 = arith.cmpi slt, %sub3A_2, %sign3A_5 : i32
    %sign3A_7 = arith.extui %sign3A_6 : i1 to i32
    %sign3A_8 = arith.subi %sign3A_4, %sign3A_7 : i32
    %sign3A_9 = arith.constant 0 : i32
    %sign3A_10 = arith.cmpi sgt, %jit3A, %sign3A_9 : i32
    %sign3A_11 = arith.extui %sign3A_10 : i1 to i32
    %sign3A_12 = arith.constant 0 : i32
    %sign3A_13 = arith.cmpi slt, %jit3A, %sign3A_12 : i32
    %sign3A_14 = arith.extui %sign3A_13 : i1 to i32
    %sign3A_15 = arith.subi %sign3A_11, %sign3A_14 : i32
    %ne3A = arith.cmpi ne, %sign3A_8, %sign3A_15 : i32
    %rem3A = arith.remsi %sub3A_2, %jit3A : i32
    %ne3A_16 = arith.constant 0 : i32
    %ne3A_17 = arith.cmpi ne, %rem3A, %ne3A_16 : i32
    %and3A = arith.andi %ne3A, %ne3A_17 : i1
    %sub3A_18 = arith.constant 1 : i32
    %sub3A_19 = arith.subi %div3A, %sub3A_18 : i32
    %select_n3A = arith.select %and3A, %sub3A_19, %div3A : i32
    %get3A = arith.index_cast %select_n3A : i32 to index
    %get3A_20 = arith.constant 0 : index
    %get3A_21 = vector.load %arg1[%get3A, %get3A_20] : memref<1024x128xf32, #tpu.memory_space<vmem>>, vector<512x128xf32>
    %swap3A = arith.constant 0 : index
    %swap3A_22 = arith.constant 0 : index
    %swap3A_23 = arith.constant 0 : index
    %swap3A_24 = vector.load %arg2[%swap3A, %swap3A_22, %swap3A_23] : memref<32x512x128xf32, #tpu.memory_space<vmem>>, vector<1x512x128xf32>
    %swap3A_25 = vector.shape_cast %swap3A_24 : vector<1x512x128xf32> to vector<512x128xf32>
    %swap3A_26 = vector.shape_cast %get3A_21 : vector<512x128xf32> to vector<1x512x128xf32>
    tpu.vector_store %arg2[%swap3A, %swap3A_22, %swap3A_23], %swap3A_26 {strides = array<i32>} : memref<32x512x128xf32, #tpu.memory_space<vmem>>, vector<1x512x128xf32>,
    %add3A_27 = arith.constant 1 : i32
    %add3A_28 = arith.addi %mul3A_0, %add3A_27 : i32
    %sub3A_29 = arith.constant 2048 : i32
    %sub3A_30 = arith.subi %sub3A_29, %add3A_28 : i32
    %jit3A_31 = arith.constant 4 : i32
    %div3A_32 = arith.divsi %sub3A_30, %jit3A_31 : i32
    %sign3A_33 = arith.constant 0 : i32
    %sign3A_34 = arith.cmpi sgt, %sub3A_30, %sign3A_33 : i32
    %sign3A_35 = arith.extui %sign3A_34 : i1 to i32
    %sign3A_36 = arith.constant 0 : i32
    %sign3A_37 = arith.cmpi slt, %sub3A_30, %sign3A_36 : i32
    %sign3A_38 = arith.extui %sign3A_37 : i1 to i32
    %sign3A_39 = arith.subi %sign3A_35, %sign3A_38 : i32
    %sign3A_40 = arith.constant 0 : i32
    %sign3A_41 = arith.cmpi sgt, %jit3A_31, %sign3A_40 : i32
    %sign3A_42 = arith.extui %sign3A_41 : i1 to i32
    %sign3A_43 = arith.constant 0 : i32
    %sign3A_44 = arith.cmpi slt, %jit3A_31, %sign3A_43 : i32
    %sign3A_45 = arith.extui %sign3A_44 : i1 to i32
    %sign3A_46 = arith.subi %sign3A_42, %sign3A_45 : i32
    %ne3A_47 = arith.cmpi ne, %sign3A_39, %sign3A_46 : i32
    %rem3A_48 = arith.remsi %sub3A_30, %jit3A_31 : i32
    %ne3A_49 = arith.constant 0 : i32
    %ne3A_50 = arith.cmpi ne, %rem3A_48, %ne3A_49 : i32
    %and3A_51 = arith.andi %ne3A_47, %ne3A_50 : i1
    %sub3A_52 = arith.constant 1 : i32
    %sub3A_53 = arith.subi %div3A_32, %sub3A_52 : i32
    %select_n3A_54 = arith.select %and3A_51, %sub3A_53, %div3A_32 : i32
    %get3A_55 = arith.index_cast %select_n3A_54 : i32 to index
    %get3A_56 = arith.constant 0 : index
    %get3A_57 = vector.load %arg1[%get3A_55, %get3A_56] : memref<1024x128xf32, #tpu.memory_space<vmem>>, vector<512x128xf32>
    %add3A_58 = arith.constant 1 : i32
    %add3A_59 = arith.addi %select_n3A_54, %add3A_58 : i32
    %get3A_60 = arith.index_cast %add3A_59 : i32 to index
    %get3A_61 = arith.constant 0 : index
    %get3A_62 = vector.load %arg1[%get3A_60, %get3A_61] : memref<1024x128xf32, #tpu.memory_space<vmem>>, vector<512x128xf32>
    %roll3A = arith.constant 32 : i32
    %roll3A_63 = tpu.dynamic_rotate %get3A_57 by %roll3A dim 1 : vector<512x128xf32>, i32 -> vector<512x128xf32>
    %roll3A_64 = arith.constant 32 : i32
    %roll3A_65 = tpu.dynamic_rotate %get3A_62 by %roll3A_64 dim 1 : vector<512x128xf32>, i32 -> vector<512x128xf32>
    %iota3A = tpu.iota {dimensions = array<i32: 1>} : vector<512x128xi32>
    %lt3A = arith.constant 32 : i32
    %lt3A_66 = vector.broadcast %lt3A : i32 to vector<512x128xi32>
    %lt3A_67 = arith.cmpi slt, %iota3A, %lt3A_66 : vector<512x128xi32>
    %select_n3A_68 = arith.select %lt3A_67, %roll3A_63, %roll3A_65 : vector<512x128xi1>, vector<512x128xf32>
    %swap3A_69 = arith.constant 1 : index
    %swap3A_70 = arith.constant 0 : index
    %swap3A_71 = arith.constant 0 : index
    %swap3A_72 = vector.load %arg2[%swap3A_69, %swap3A_70, %swap3A_71] : memref<32x512x128xf32, #tpu.memory_space<vmem>>, vector<1x512x128xf32>
    %swap3A_73 = vector.shape_cast %swap3A_72 : vector<1x512x128xf32> to vector<512x128xf32>
    %swap3A_74 = vector.shape_cast %select_n3A_68 : vector<512x128xf32> to vector<1x512x128xf32>
    tpu.vector_store %arg2[%swap3A_69, %swap3A_70, %swap3A_71], %swap3A_74 {strides = array<i32>} : memref<32x512x128xf32, #tpu.memory_space<vmem>>, vector<1x512x128xf32>,
    %add3A_75 = arith.constant 2 : i32
    %add3A_76 = arith.addi %mul3A_0, %add3A_75 : i32
    %sub3A_77 = arith.constant 2048 : i32
    %sub3A_78 = arith.subi %sub3A_77, %add3A_76 : i32
    %jit3A_79 = arith.constant 4 : i32
    %div3A_80 = arith.divsi %sub3A_78, %jit3A_79 : i32
    %sign3A_81 = arith.constant 0 : i32
    %sign3A_82 = arith.cmpi sgt, %sub3A_78, %sign3A_81 : i32
    %sign3A_83 = arith.extui %sign3A_82 : i1 to i32
    %sign3A_84 = arith.constant 0 : i32
    %sign3A_85 = arith.cmpi slt, %sub3A_78, %sign3A_84 : i32
    %sign3A_86 = arith.extui %sign3A_85 : i1 to i32
    %sign3A_87 = arith.subi %sign3A_83, %sign3A_86 : i32
    %sign3A_88 = arith.constant 0 : i32
    %sign3A_89 = arith.cmpi sgt, %jit3A_79, %sign3A_88 : i32
    %sign3A_90 = arith.extui %sign3A_89 : i1 to i32
    %sign3A_91 = arith.constant 0 : i32
    %sign3A_92 = arith.cmpi slt, %jit3A_79, %sign3A_91 : i32
    %sign3A_93 = arith.extui %sign3A_92 : i1 to i32
    %sign3A_94 = arith.subi %sign3A_90, %sign3A_93 : i32
    %ne3A_95 = arith.cmpi ne, %sign3A_87, %sign3A_94 : i32
    %rem3A_96 = arith.remsi %sub3A_78, %jit3A_79 : i32
    %ne3A_97 = arith.constant 0 : i32
    %ne3A_98 = arith.cmpi ne, %rem3A_96, %ne3A_97 : i32
    %and3A_99 = arith.andi %ne3A_95, %ne3A_98 : i1
    %sub3A_100 = arith.constant 1 : i32
    %sub3A_101 = arith.subi %div3A_80, %sub3A_100 : i32
    %select_n3A_102 = arith.select %and3A_99, %sub3A_101, %div3A_80 : i32
    %get3A_103 = arith.index_cast %select_n3A_102 : i32 to index
    %get3A_104 = arith.constant 0 : index
    %get3A_105 = vector.load %arg1[%get3A_103, %get3A_104] : memref<1024x128xf32, #tpu.memory_space<vmem>>, vector<512x128xf32>
    %add3A_106 = arith.constant 1 : i32
    %add3A_107 = arith.addi %select_n3A_102, %add3A_106 : i32
    %get3A_108 = arith.index_cast %add3A_107 : i32 to index
    %get3A_109 = arith.constant 0 : index
    %get3A_110 = vector.load %arg1[%get3A_108, %get3A_109] : memref<1024x128xf32, #tpu.memory_space<vmem>>, vector<512x128xf32>
    %roll3A_111 = arith.constant 64 : i32
    %roll3A_112 = tpu.dynamic_rotate %get3A_105 by %roll3A_111 dim 1 : vector<512x128xf32>, i32 -> vector<512x128xf32>
    %roll3A_113 = arith.constant 64 : i32
    %roll3A_114 = tpu.dynamic_rotate %get3A_110 by %roll3A_113 dim 1 : vector<512x128xf32>, i32 -> vector<512x128xf32>
    %iota3A_115 = tpu.iota {dimensions = array<i32: 1>} : vector<512x128xi32>
    %lt3A_116 = arith.constant 64 : i32
    %lt3A_117 = vector.broadcast %lt3A_116 : i32 to vector<512x128xi32>
    %lt3A_118 = arith.cmpi slt, %iota3A_115, %lt3A_117 : vector<512x128xi32>
    %select_n3A_119 = arith.select %lt3A_118, %roll3A_112, %roll3A_114 : vector<512x128xi1>, vector<512x128xf32>
    %swap3A_120 = arith.constant 2 : index
    %swap3A_121 = arith.constant 0 : index
    %swap3A_122 = arith.constant 0 : index
    %swap3A_123 = vector.load %arg2[%swap3A_120, %swap3A_121, %swap3A_122] : memref<32x512x128xf32, #tpu.memory_space<vmem>>, vector<1x512x128xf32>
    %swap3A_124 = vector.shape_cast %swap3A_123 : vector<1x512x128xf32> to vector<512x128xf32>
    %swap3A_125 = vector.shape_cast %select_n3A_119 : vector<512x128xf32> to vector<1x512x128xf32>
    tpu.vector_store %arg2[%swap3A_120, %swap3A_121, %swap3A_122], %swap3A_125 {strides = array<i32>} : memref<32x512x128xf32, #tpu.memory_space<vmem>>, vector<1x512x128xf32>,
    %add3A_126 = arith.constant 3 : i32
    %add3A_127 = arith.addi %mul3A_0, %add3A_126 : i32
    %sub3A_128 = arith.constant 2048 : i32
    %sub3A_129 = arith.subi %sub3A_128, %add3A_127 : i32
    %jit3A_130 = arith.constant 4 : i32
    %div3A_131 = arith.divsi %sub3A_129, %jit3A_130 : i32
    %sign3A_132 = arith.constant 0 : i32
    %sign3A_133 = arith.cmpi sgt, %sub3A_129, %sign3A_132 : i32
    %sign3A_134 = arith.extui %sign3A_133 : i1 to i32
    %sign3A_135 = arith.constant 0 : i32
    %sign3A_136 = arith.cmpi slt, %sub3A_129, %sign3A_135 : i32
    %sign3A_137 = arith.extui %sign3A_136 : i1 to i32
    %sign3A_138 = arith.subi %sign3A_134, %sign3A_137 : i32
    %sign3A_139 = arith.constant 0 : i32
    %sign3A_140 = arith.cmpi sgt, %jit3A_130, %sign3A_139 : i32
    %sign3A_141 = arith.extui %sign3A_140 : i1 to i32
    %sign3A_142 = arith.constant 0 : i32
    %sign3A_143 = arith.cmpi slt, %jit3A_130, %sign3A_142 : i32
    %sign3A_144 = arith.extui %sign3A_143 : i1 to i32
    %sign3A_145 = arith.subi %sign3A_141, %sign3A_144 : i32
    %ne3A_146 = arith.cmpi ne, %sign3A_138, %sign3A_145 : i32
    %rem3A_147 = arith.remsi %sub3A_129, %jit3A_130 : i32
    %ne3A_148 = arith.constant 0 : i32
    %ne3A_149 = arith.cmpi ne, %rem3A_147, %ne3A_148 : i32
    %and3A_150 = arith.andi %ne3A_146, %ne3A_149 : i1
    %sub3A_151 = arith.constant 1 : i32
    %sub3A_152 = arith.subi %div3A_131, %sub3A_151 : i32
    %select_n3A_153 = arith.select %and3A_150, %sub3A_152, %div3A_131 : i32
    %get3A_154 = arith.index_cast %select_n3A_153 : i32 to index
    %get3A_155 = arith.constant 0 : index
    %get3A_156 = vector.load %arg1[%get3A_154, %get3A_155] : memref<1024x128xf32, #tpu.memory_space<vmem>>, vector<512x128xf32>
    %add3A_157 = arith.constant 1 : i32
    %add3A_158 = arith.addi %select_n3A_153, %add3A_157 : i32
    %get3A_159 = arith.index_cast %add3A_158 : i32 to index
    %get3A_160 = arith.constant 0 : index
    %get3A_161 = vector.load %arg1[%get3A_159, %get3A_160] : memref<1024x128xf32, #tpu.memory_space<vmem>>, vector<512x128xf32>
    %roll3A_162 = arith.constant 96 : i32
    %roll3A_163 = tpu.dynamic_rotate %get3A_156 by %roll3A_162 dim 1 : vector<512x128xf32>, i32 -> vector<512x128xf32>
    %roll3A_164 = arith.constant 96 : i32
    %roll3A_165 = tpu.dynamic_rotate %get3A_161 by %roll3A_164 dim 1 : vector<512x128xf32>, i32 -> vector<512x128xf32>
    %iota3A_166 = tpu.iota {dimensions = array<i32: 1>} : vector<512x128xi32>
    %lt3A_167 = arith.constant 96 : i32
    %lt3A_168 = vector.broadcast %lt3A_167 : i32 to vector<512x128xi32>
    %lt3A_169 = arith.cmpi slt, %iota3A_166, %lt3A_168 : vector<512x128xi32>
    %select_n3A_170 = arith.select %lt3A_169, %roll3A_163, %roll3A_165 : vector<512x128xi1>, vector<512x128xf32>
    %swap3A_171 = arith.constant 3 : index
    %swap3A_172 = arith.constant 0 : index
    %swap3A_173 = arith.constant 0 : index
    %swap3A_174 = vector.load %arg2[%swap3A_171, %swap3A_172, %swap3A_173] : memref<32x512x128xf32, #tpu.memory_space<vmem>>, vector<1x512x128xf32>
    %swap3A_175 = vector.shape_cast %swap3A_174 : vector<1x512x128xf32> to vector<512x128xf32>
    %swap3A_176 = vector.shape_cast %select_n3A_170 : vector<512x128xf32> to vector<1x512x128xf32>
    tpu.vector_store %arg2[%swap3A_171, %swap3A_172, %swap3A_173], %swap3A_176 {strides = array<i32>} : memref<32x512x128xf32, #tpu.memory_space<vmem>>, vector<1x512x128xf32>,
    %add3A_177 = arith.constant 4 : i32
    %add3A_178 = arith.addi %mul3A_0, %add3A_177 : i32
    %sub3A_179 = arith.constant 2048 : i32
    %sub3A_180 = arith.subi %sub3A_179, %add3A_178 : i32
    %jit3A_181 = arith.constant 4 : i32
    %div3A_182 = arith.divsi %sub3A_180, %jit3A_181 : i32
    %sign3A_183 = arith.constant 0 : i32
    %sign3A_184 = arith.cmpi sgt, %sub3A_180, %sign3A_183 : i32
    %sign3A_185 = arith.extui %sign3A_184 : i1 to i32
    %sign3A_186 = arith.constant 0 : i32
    %sign3A_187 = arith.cmpi slt, %sub3A_180, %sign3A_186 : i32
    %sign3A_188 = arith.extui %sign3A_187 : i1 to i32
    %sign3A_189 = arith.subi %sign3A_185, %sign3A_188 : i32
    %sign3A_190 = arith.constant 0 : i32
    %sign3A_191 = arith.cmpi sgt, %jit3A_181, %sign3A_190 : i32
    %sign3A_192 = arith.extui %sign3A_191 : i1 to i32
    %sign3A_193 = arith.constant 0 : i32
    %sign3A_194 = arith.cmpi slt, %jit3A_181, %sign3A_193 : i32
    %sign3A_195 = arith.extui %sign3A_194 : i1 to i32
    %sign3A_196 = arith.subi %sign3A_192, %sign3A_195 : i32
    %ne3A_197 = arith.cmpi ne, %sign3A_189, %sign3A_196 : i32
    %rem3A_198 = arith.remsi %sub3A_180, %jit3A_181 : i32
    %ne3A_199 = arith.constant 0 : i32
    %ne3A_200 = arith.cmpi ne, %rem3A_198, %ne3A_199 : i32
    %and3A_201 = arith.andi %ne3A_197, %ne3A_200 : i1
    %sub3A_202 = arith.constant 1 : i32
    %sub3A_203 = arith.subi %div3A_182, %sub3A_202 : i32
    %select_n3A_204 = arith.select %and3A_201, %sub3A_203, %div3A_182 : i32
    %get3A_205 = arith.index_cast %select_n3A_204 : i32 to index
    %get3A_206 = arith.constant 0 : index
    %get3A_207 = vector.load %arg1[%get3A_205, %get3A_206] : memref<1024x128xf32, #tpu.memory_space<vmem>>, vector<512x128xf32>
    %swap3A_208 = arith.constant 4 : index
    %swap3A_209 = arith.constant 0 : index
    %swap3A_210 = arith.constant 0 : index
    %swap3A_211 = vector.load %arg2[%swap3A_208, %swap3A_209, %swap3A_210] : memref<32x512x128xf32, #tpu.memory_space<vmem>>, vector<1x512x128xf32>
    %swap3A_212 = vector.shape_cast %swap3A_211 : vector<1x512x128xf32> to vector<512x128xf32>
    %swap3A_213 = vector.shape_cast %get3A_207 : vector<512x128xf32> to vector<1x512x128xf32>
    tpu.vector_store %arg2[%swap3A_208, %swap3A_209, %swap3A_210], %swap3A_213 {strides = array<i32>} : memref<32x512x128xf32, #tpu.memory_space<vmem>>, vector<1x512x128xf32>,
    %add3A_214 = arith.constant 5 : i32
    %add3A_215 = arith.addi %mul3A_0, %add3A_214 : i32
    %sub3A_216 = arith.constant 2048 : i32
    %sub3A_217 = arith.subi %sub3A_216, %add3A_215 : i32
    %jit3A_218 = arith.constant 4 : i32
    %div3A_219 = arith.divsi %sub3A_217, %jit3A_218 : i32
    %sign3A_220 = arith.constant 0 : i32
    %sign3A_221 = arith.cmpi sgt, %sub3A_217, %sign3A_220 : i32
    %sign3A_222 = arith.extui %sign3A_221 : i1 to i32
    %sign3A_223 = arith.constant 0 : i32
    %sign3A_224 = arith.cmpi slt, %sub3A_217, %sign3A_223 : i32
    %sign3A_225 = arith.extui %sign3A_224 : i1 to i32
    %sign3A_226 = arith.subi %sign3A_222, %sign3A_225 : i32
    %sign3A_227 = arith.constant 0 : i32
    %sign3A_228 = arith.cmpi sgt, %jit3A_218, %sign3A_227 : i32
    %sign3A_229 = arith.extui %sign3A_228 : i1 to i32
    %sign3A_230 = arith.constant 0 : i32
    %sign3A_231 = arith.cmpi slt, %jit3A_218, %sign3A_230 : i32
    %sign3A_232 = arith.extui %sign3A_231 : i1 to i32
    %sign3A_233 = arith.subi %sign3A_229, %sign3A_232 : i32
    %ne3A_234 = arith.cmpi ne, %sign3A_226, %sign3A_233 : i32
    %rem3A_235 = arith.remsi %sub3A_217, %jit3A_218 : i32
    %ne3A_236 = arith.constant 0 : i32
    %ne3A_237 = arith.cmpi ne, %rem3A_235, %ne3A_236 : i32
    %and3A_238 = arith.andi %ne3A_234, %ne3A_237 : i1
    %sub3A_239 = arith.constant 1 : i32
    %sub3A_240 = arith.subi %div3A_219, %sub3A_239 : i32
    %select_n3A_241 = arith.select %and3A_238, %sub3A_240, %div3A_219 : i32
    %get3A_242 = arith.index_cast %select_n3A_241 : i32 to index
    %get3A_243 = arith.constant 0 : index
    %get3A_244 = vector.load %arg1[%get3A_242, %get3A_243] : memref<1024x128xf32, #tpu.memory_space<vmem>>, vector<512x128xf32>
    %add3A_245 = arith.constant 1 : i32
    %add3A_246 = arith.addi %select_n3A_241, %add3A_245 : i32
    %get3A_247 = arith.index_cast %add3A_246 : i32 to index
    %get3A_248 = arith.constant 0 : index
    %get3A_249 = vector.load %arg1[%get3A_247, %get3A_248] : memref<1024x128xf32, #tpu.memory_space<vmem>>, vector<512x128xf32>
    %roll3A_250 = arith.constant 32 : i32
    %roll3A_251 = tpu.dynamic_rotate %get3A_244 by %roll3A_250 dim 1 : vector<512x128xf32>, i32 -> vector<512x128xf32>
    %roll3A_252 = arith.constant 32 : i32
    %roll3A_253 = tpu.dynamic_rotate %get3A_249 by %roll3A_252 dim 1 : vector<512x128xf32>, i32 -> vector<512x128xf32>
    %iota3A_254 = tpu.iota {dimensions = array<i32: 1>} : vector<512x128xi32>
    %lt3A_255 = arith.constant 32 : i32
    %lt3A_256 = vector.broadcast %lt3A_255 : i32 to vector<512x128xi32>
    %lt3A_257 = arith.cmpi slt, %iota3A_254, %lt3A_256 : vector<512x128xi32>
    %select_n3A_258 = arith.select %lt3A_257, %roll3A_251, %roll3A_253 : vector<512x128xi1>, vector<512x128xf32>
    %swap3A_259 = arith.constant 5 : index
    %swap3A_260 = arith.constant 0 : index
    %swap3A_261 = arith.constant 0 : index
    %swap3A_262 = vector.load %arg2[%swap3A_259, %swap3A_260, %swap3A_261] : memref<32x512x128xf32, #tpu.memory_space<vmem>>, vector<1x512x128xf32>
    %swap3A_263 = vector.shape_cast %swap3A_262 : vector<1x512x128xf32> to vector<512x128xf32>
    %swap3A_264 = vector.shape_cast %select_n3A_258 : vector<512x128xf32> to vector<1x512x128xf32>
    tpu.vector_store %arg2[%swap3A_259, %swap3A_260, %swap3A_261], %swap3A_264 {strides = array<i32>} : memref<32x512x128xf32, #tpu.memory_space<vmem>>, vector<1x512x128xf32>,
    %add3A_265 = arith.constant 6 : i32
    %add3A_266 = arith.addi %mul3A_0, %add3A_265 : i32
    %sub3A_267 = arith.constant 2048 : i32
    %sub3A_268 = arith.subi %sub3A_267, %add3A_266 : i32
    %jit3A_269 = arith.constant 4 : i32
    %div3A_270 = arith.divsi %sub3A_268, %jit3A_269 : i32
    %sign3A_271 = arith.constant 0 : i32
    %sign3A_272 = arith.cmpi sgt, %sub3A_268, %sign3A_271 : i32
    %sign3A_273 = arith.extui %sign3A_272 : i1 to i32
    %sign3A_274 = arith.constant 0 : i32
    %sign3A_275 = arith.cmpi slt, %sub3A_268, %sign3A_274 : i32
    %sign3A_276 = arith.extui %sign3A_275 : i1 to i32
    %sign3A_277 = arith.subi %sign3A_273, %sign3A_276 : i32
    %sign3A_278 = arith.constant 0 : i32
    %sign3A_279 = arith.cmpi sgt, %jit3A_269, %sign3A_278 : i32
    %sign3A_280 = arith.extui %sign3A_279 : i1 to i32
    %sign3A_281 = arith.constant 0 : i32
    %sign3A_282 = arith.cmpi slt, %jit3A_269, %sign3A_281 : i32
    %sign3A_283 = arith.extui %sign3A_282 : i1 to i32
    %sign3A_284 = arith.subi %sign3A_280, %sign3A_283 : i32
    %ne3A_285 = arith.cmpi ne, %sign3A_277, %sign3A_284 : i32
    %rem3A_286 = arith.remsi %sub3A_268, %jit3A_269 : i32
    %ne3A_287 = arith.constant 0 : i32
    %ne3A_288 = arith.cmpi ne, %rem3A_286, %ne3A_287 : i32
    %and3A_289 = arith.andi %ne3A_285, %ne3A_288 : i1
    %sub3A_290 = arith.constant 1 : i32
    %sub3A_291 = arith.subi %div3A_270, %sub3A_290 : i32
    %select_n3A_292 = arith.select %and3A_289, %sub3A_291, %div3A_270 : i32
    %get3A_293 = arith.index_cast %select_n3A_292 : i32 to index
    %get3A_294 = arith.constant 0 : index
    %get3A_295 = vector.load %arg1[%get3A_293, %get3A_294] : memref<1024x128xf32, #tpu.memory_space<vmem>>, vector<512x128xf32>
    %add3A_296 = arith.constant 1 : i32
    %add3A_297 = arith.addi %select_n3A_292, %add3A_296 : i32
    %get3A_298 = arith.index_cast %add3A_297 : i32 to index
    %get3A_299 = arith.constant 0 : index
    %get3A_300 = vector.load %arg1[%get3A_298, %get3A_299] : memref<1024x128xf32, #tpu.memory_space<vmem>>, vector<512x128xf32>
    %roll3A_301 = arith.constant 64 : i32
    %roll3A_302 = tpu.dynamic_rotate %get3A_295 by %roll3A_301 dim 1 : vector<512x128xf32>, i32 -> vector<512x128xf32>
    %roll3A_303 = arith.constant 64 : i32
    %roll3A_304 = tpu.dynamic_rotate %get3A_300 by %roll3A_303 dim 1 : vector<512x128xf32>, i32 -> vector<512x128xf32>
    %iota3A_305 = tpu.iota {dimensions = array<i32: 1>} : vector<512x128xi32>
    %lt3A_306 = arith.constant 64 : i32
    %lt3A_307 = vector.broadcast %lt3A_306 : i32 to vector<512x128xi32>
    %lt3A_308 = arith.cmpi slt, %iota3A_305, %lt3A_307 : vector<512x128xi32>
    %select_n3A_309 = arith.select %lt3A_308, %roll3A_302, %roll3A_304 : vector<512x128xi1>, vector<512x128xf32>
    %swap3A_310 = arith.constant 6 : index
    %swap3A_311 = arith.constant 0 : index
    %swap3A_312 = arith.constant 0 : index
    %swap3A_313 = vector.load %arg2[%swap3A_310, %swap3A_311, %swap3A_312] : memref<32x512x128xf32, #tpu.memory_space<vmem>>, vector<1x512x128xf32>
    %swap3A_314 = vector.shape_cast %swap3A_313 : vector<1x512x128xf32> to vector<512x128xf32>
    %swap3A_315 = vector.shape_cast %select_n3A_309 : vector<512x128xf32> to vector<1x512x128xf32>
    tpu.vector_store %arg2[%swap3A_310, %swap3A_311, %swap3A_312], %swap3A_315 {strides = array<i32>} : memref<32x512x128xf32, #tpu.memory_space<vmem>>, vector<1x512x128xf32>,
    %add3A_316 = arith.constant 7 : i32
    %add3A_317 = arith.addi %mul3A_0, %add3A_316 : i32
    %sub3A_318 = arith.constant 2048 : i32
    %sub3A_319 = arith.subi %sub3A_318, %add3A_317 : i32
    %jit3A_320 = arith.constant 4 : i32
    %div3A_321 = arith.divsi %sub3A_319, %jit3A_320 : i32
    %sign3A_322 = arith.constant 0 : i32
    %sign3A_323 = arith.cmpi sgt, %sub3A_319, %sign3A_322 : i32
    %sign3A_324 = arith.extui %sign3A_323 : i1 to i32
    %sign3A_325 = arith.constant 0 : i32
    %sign3A_326 = arith.cmpi slt, %sub3A_319, %sign3A_325 : i32
    %sign3A_327 = arith.extui %sign3A_326 : i1 to i32
    %sign3A_328 = arith.subi %sign3A_324, %sign3A_327 : i32
    %sign3A_329 = arith.constant 0 : i32
    %sign3A_330 = arith.cmpi sgt, %jit3A_320, %sign3A_329 : i32
    %sign3A_331 = arith.extui %sign3A_330 : i1 to i32
    %sign3A_332 = arith.constant 0 : i32
    %sign3A_333 = arith.cmpi slt, %jit3A_320, %sign3A_332 : i32
    %sign3A_334 = arith.extui %sign3A_333 : i1 to i32
    %sign3A_335 = arith.subi %sign3A_331, %sign3A_334 : i32
    %ne3A_336 = arith.cmpi ne, %sign3A_328, %sign3A_335 : i32
    %rem3A_337 = arith.remsi %sub3A_319, %jit3A_320 : i32
    %ne3A_338 = arith.constant 0 : i32
    %ne3A_339 = arith.cmpi ne, %rem3A_337, %ne3A_338 : i32
    %and3A_340 = arith.andi %ne3A_336, %ne3A_339 : i1
    %sub3A_341 = arith.constant 1 : i32
    %sub3A_342 = arith.subi %div3A_321, %sub3A_341 : i32
    %select_n3A_343 = arith.select %and3A_340, %sub3A_342, %div3A_321 : i32
    %get3A_344 = arith.index_cast %select_n3A_343 : i32 to index
    %get3A_345 = arith.constant 0 : index
    %get3A_346 = vector.load %arg1[%get3A_344, %get3A_345] : memref<1024x128xf32, #tpu.memory_space<vmem>>, vector<512x128xf32>
    %add3A_347 = arith.constant 1 : i32
    %add3A_348 = arith.addi %select_n3A_343, %add3A_347 : i32
    %get3A_349 = arith.index_cast %add3A_348 : i32 to index
    %get3A_350 = arith.constant 0 : index
    %get3A_351 = vector.load %arg1[%get3A_349, %get3A_350] : memref<1024x128xf32, #tpu.memory_space<vmem>>, vector<512x128xf32>
    %roll3A_352 = arith.constant 96 : i32
    %roll3A_353 = tpu.dynamic_rotate %get3A_346 by %roll3A_352 dim 1 : vector<512x128xf32>, i32 -> vector<512x128xf32>
    %roll3A_354 = arith.constant 96 : i32
    %roll3A_355 = tpu.dynamic_rotate %get3A_351 by %roll3A_354 dim 1 : vector<512x128xf32>, i32 -> vector<512x128xf32>
    %iota3A_356 = tpu.iota {dimensions = array<i32: 1>} : vector<512x128xi32>
    %lt3A_357 = arith.constant 96 : i32
    %lt3A_358 = vector.broadcast %lt3A_357 : i32 to vector<512x128xi32>
    %lt3A_359 = arith.cmpi slt, %iota3A_356, %lt3A_358 : vector<512x128xi32>
    %select_n3A_360 = arith.select %lt3A_359, %roll3A_353, %roll3A_355 : vector<512x128xi1>, vector<512x128xf32>
    %swap3A_361 = arith.constant 7 : index
    %swap3A_362 = arith.constant 0 : index
    %swap3A_363 = arith.constant 0 : index
    %swap3A_364 = vector.load %arg2[%swap3A_361, %swap3A_362, %swap3A_363] : memref<32x512x128xf32, #tpu.memory_space<vmem>>, vector<1x512x128xf32>
    %swap3A_365 = vector.shape_cast %swap3A_364 : vector<1x512x128xf32> to vector<512x128xf32>
    %swap3A_366 = vector.shape_cast %select_n3A_360 : vector<512x128xf32> to vector<1x512x128xf32>
    tpu.vector_store %arg2[%swap3A_361, %swap3A_362, %swap3A_363], %swap3A_366 {strides = array<i32>} : memref<32x512x128xf32, #tpu.memory_space<vmem>>, vector<1x512x128xf32>,
    %add3A_367 = arith.constant 8 : i32
    %add3A_368 = arith.addi %mul3A_0, %add3A_367 : i32
    %sub3A_369 = arith.constant 2048 : i32
    %sub3A_370 = arith.subi %sub3A_369, %add3A_368 : i32
    %jit3A_371 = arith.constant 4 : i32
    %div3A_372 = arith.divsi %sub3A_370, %jit3A_371 : i32
    %sign3A_373 = arith.constant 0 : i32
    %sign3A_374 = arith.cmpi sgt, %sub3A_370, %sign3A_373 : i32
    %sign3A_375 = arith.extui %sign3A_374 : i1 to i32
    %sign3A_376 = arith.constant 0 : i32
    %sign3A_377 = arith.cmpi slt, %sub3A_370, %sign3A_376 : i32
    %sign3A_378 = arith.extui %sign3A_377 : i1 to i32
    %sign3A_379 = arith.subi %sign3A_375, %sign3A_378 : i32
    %sign3A_380 = arith.constant 0 : i32
    %sign3A_381 = arith.cmpi sgt, %jit3A_371, %sign3A_380 : i32
    %sign3A_382 = arith.extui %sign3A_381 : i1 to i32
    %sign3A_383 = arith.constant 0 : i32
    %sign3A_384 = arith.cmpi slt, %jit3A_371, %sign3A_383 : i32
    %sign3A_385 = arith.extui %sign3A_384 : i1 to i32
    %sign3A_386 = arith.subi %sign3A_382, %sign3A_385 : i32
    %ne3A_387 = arith.cmpi ne, %sign3A_379, %sign3A_386 : i32
    %rem3A_388 = arith.remsi %sub3A_370, %jit3A_371 : i32
    %ne3A_389 = arith.constant 0 : i32
    %ne3A_390 = arith.cmpi ne, %rem3A_388, %ne3A_389 : i32
    %and3A_391 = arith.andi %ne3A_387, %ne3A_390 : i1
    %sub3A_392 = arith.constant 1 : i32
    %sub3A_393 = arith.subi %div3A_372, %sub3A_392 : i32
    %select_n3A_394 = arith.select %and3A_391, %sub3A_393, %div3A_372 : i32
    %get3A_395 = arith.index_cast %select_n3A_394 : i32 to index
    %get3A_396 = arith.constant 0 : index
    %get3A_397 = vector.load %arg1[%get3A_395, %get3A_396] : memref<1024x128xf32, #tpu.memory_space<vmem>>, vector<512x128xf32>
    %swap3A_398 = arith.constant 8 : index
    %swap3A_399 = arith.constant 0 : index
    %swap3A_400 = arith.constant 0 : index
    %swap3A_401 = vector.load %arg2[%swap3A_398, %swap3A_399, %swap3A_400] : memref<32x512x128xf32, #tpu.memory_space<vmem>>, vector<1x512x128xf32>
    %swap3A_402 = vector.shape_cast %swap3A_401 : vector<1x512x128xf32> to vector<512x128xf32>
    %swap3A_403 = vector.shape_cast %get3A_397 : vector<512x128xf32> to vector<1x512x128xf32>
    tpu.vector_store %arg2[%swap3A_398, %swap3A_399, %swap3A_400], %swap3A_403 {strides = array<i32>} : memref<32x512x128xf32, #tpu.memory_space<vmem>>, vector<1x512x128xf32>,
    %add3A_404 = arith.constant 9 : i32
    %add3A_405 = arith.addi %mul3A_0, %add3A_404 : i32
    %sub3A_406 = arith.constant 2048 : i32
    %sub3A_407 = arith.subi %sub3A_406, %add3A_405 : i32
    %jit3A_408 = arith.constant 4 : i32
    %div3A_409 = arith.divsi %sub3A_407, %jit3A_408 : i32
    %sign3A_410 = arith.constant 0 : i32
    %sign3A_411 = arith.cmpi sgt, %sub3A_407, %sign3A_410 : i32
    %sign3A_412 = arith.extui %sign3A_411 : i1 to i32
    %sign3A_413 = arith.constant 0 : i32
    %sign3A_414 = arith.cmpi slt, %sub3A_407, %sign3A_413 : i32
    %sign3A_415 = arith.extui %sign3A_414 : i1 to i32
    %sign3A_416 = arith.subi %sign3A_412, %sign3A_415 : i32
    %sign3A_417 = arith.constant 0 : i32
    %sign3A_418 = arith.cmpi sgt, %jit3A_408, %sign3A_417 : i32
    %sign3A_419 = arith.extui %sign3A_418 : i1 to i32
    %sign3A_420 = arith.constant 0 : i32
    %sign3A_421 = arith.cmpi slt, %jit3A_408, %sign3A_420 : i32
    %sign3A_422 = arith.extui %sign3A_421 : i1 to i32
    %sign3A_423 = arith.subi %sign3A_419, %sign3A_422 : i32
    %ne3A_424 = arith.cmpi ne, %sign3A_416, %sign3A_423 : i32
    %rem3A_425 = arith.remsi %sub3A_407, %jit3A_408 : i32
    %ne3A_426 = arith.constant 0 : i32
    %ne3A_427 = arith.cmpi ne, %rem3A_425, %ne3A_426 : i32
    %and3A_428 = arith.andi %ne3A_424, %ne3A_427 : i1
    %sub3A_429 = arith.constant 1 : i32
    %sub3A_430 = arith.subi %div3A_409, %sub3A_429 : i32
    %select_n3A_431 = arith.select %and3A_428, %sub3A_430, %div3A_409 : i32
    %get3A_432 = arith.index_cast %select_n3A_431 : i32 to index
    %get3A_433 = arith.constant 0 : index
    %get3A_434 = vector.load %arg1[%get3A_432, %get3A_433] : memref<1024x128xf32, #tpu.memory_space<vmem>>, vector<512x128xf32>
    %add3A_435 = arith.constant 1 : i32
    %add3A_436 = arith.addi %select_n3A_431, %add3A_435 : i32
    %get3A_437 = arith.index_cast %add3A_436 : i32 to index
    %get3A_438 = arith.constant 0 : index
    %get3A_439 = vector.load %arg1[%get3A_437, %get3A_438] : memref<1024x128xf32, #tpu.memory_space<vmem>>, vector<512x128xf32>
    %roll3A_440 = arith.constant 32 : i32
    %roll3A_441 = tpu.dynamic_rotate %get3A_434 by %roll3A_440 dim 1 : vector<512x128xf32>, i32 -> vector<512x128xf32>
    %roll3A_442 = arith.constant 32 : i32
    %roll3A_443 = tpu.dynamic_rotate %get3A_439 by %roll3A_442 dim 1 : vector<512x128xf32>, i32 -> vector<512x128xf32>
    %iota3A_444 = tpu.iota {dimensions = array<i32: 1>} : vector<512x128xi32>
    %lt3A_445 = arith.constant 32 : i32
    %lt3A_446 = vector.broadcast %lt3A_445 : i32 to vector<512x128xi32>
    %lt3A_447 = arith.cmpi slt, %iota3A_444, %lt3A_446 : vector<512x128xi32>
    %select_n3A_448 = arith.select %lt3A_447, %roll3A_441, %roll3A_443 : vector<512x128xi1>, vector<512x128xf32>
    %swap3A_449 = arith.constant 9 : index
    %swap3A_450 = arith.constant 0 : index
    %swap3A_451 = arith.constant 0 : index
    %swap3A_452 = vector.load %arg2[%swap3A_449, %swap3A_450, %swap3A_451] : memref<32x512x128xf32, #tpu.memory_space<vmem>>, vector<1x512x128xf32>
    %swap3A_453 = vector.shape_cast %swap3A_452 : vector<1x512x128xf32> to vector<512x128xf32>
    %swap3A_454 = vector.shape_cast %select_n3A_448 : vector<512x128xf32> to vector<1x512x128xf32>
    tpu.vector_store %arg2[%swap3A_449, %swap3A_450, %swap3A_451], %swap3A_454 {strides = array<i32>} : memref<32x512x128xf32, #tpu.memory_space<vmem>>, vector<1x512x128xf32>,
    %add3A_455 = arith.constant 10 : i32
    %add3A_456 = arith.addi %mul3A_0, %add3A_455 : i32
    %sub3A_457 = arith.constant 2048 : i32
    %sub3A_458 = arith.subi %sub3A_457, %add3A_456 : i32
    %jit3A_459 = arith.constant 4 : i32
    %div3A_460 = arith.divsi %sub3A_458, %jit3A_459 : i32
    %sign3A_461 = arith.constant 0 : i32
    %sign3A_462 = arith.cmpi sgt, %sub3A_458, %sign3A_461 : i32
    %sign3A_463 = arith.extui %sign3A_462 : i1 to i32
    %sign3A_464 = arith.constant 0 : i32
    %sign3A_465 = arith.cmpi slt, %sub3A_458, %sign3A_464 : i32
    %sign3A_466 = arith.extui %sign3A_465 : i1 to i32
    %sign3A_467 = arith.subi %sign3A_463, %sign3A_466 : i32
    %sign3A_468 = arith.constant 0 : i32
    %sign3A_469 = arith.cmpi sgt, %jit3A_459, %sign3A_468 : i32
    %sign3A_470 = arith.extui %sign3A_469 : i1 to i32
    %sign3A_471 = arith.constant 0 : i32
    %sign3A_472 = arith.cmpi slt, %jit3A_459, %sign3A_471 : i32
    %sign3A_473 = arith.extui %sign3A_472 : i1 to i32
    %sign3A_474 = arith.subi %sign3A_470, %sign3A_473 : i32
    %ne3A_475 = arith.cmpi ne, %sign3A_467, %sign3A_474 : i32
    %rem3A_476 = arith.remsi %sub3A_458, %jit3A_459 : i32
    %ne3A_477 = arith.constant 0 : i32
    %ne3A_478 = arith.cmpi ne, %rem3A_476, %ne3A_477 : i32
    %and3A_479 = arith.andi %ne3A_475, %ne3A_478 : i1
    %sub3A_480 = arith.constant 1 : i32
    %sub3A_481 = arith.subi %div3A_460, %sub3A_480 : i32
    %select_n3A_482 = arith.select %and3A_479, %sub3A_481, %div3A_460 : i32
    %get3A_483 = arith.index_cast %select_n3A_482 : i32 to index
    %get3A_484 = arith.constant 0 : index
    %get3A_485 = vector.load %arg1[%get3A_483, %get3A_484] : memref<1024x128xf32, #tpu.memory_space<vmem>>, vector<512x128xf32>
    %add3A_486 = arith.constant 1 : i32
    %add3A_487 = arith.addi %select_n3A_482, %add3A_486 : i32
    %get3A_488 = arith.index_cast %add3A_487 : i32 to index
    %get3A_489 = arith.constant 0 : index
    %get3A_490 = vector.load %arg1[%get3A_488, %get3A_489] : memref<1024x128xf32, #tpu.memory_space<vmem>>, vector<512x128xf32>
    %roll3A_491 = arith.constant 64 : i32
    %roll3A_492 = tpu.dynamic_rotate %get3A_485 by %roll3A_491 dim 1 : vector<512x128xf32>, i32 -> vector<512x128xf32>
    %roll3A_493 = arith.constant 64 : i32
    %roll3A_494 = tpu.dynamic_rotate %get3A_490 by %roll3A_493 dim 1 : vector<512x128xf32>, i32 -> vector<512x128xf32>
    %iota3A_495 = tpu.iota {dimensions = array<i32: 1>} : vector<512x128xi32>
    %lt3A_496 = arith.constant 64 : i32
    %lt3A_497 = vector.broadcast %lt3A_496 : i32 to vector<512x128xi32>
    %lt3A_498 = arith.cmpi slt, %iota3A_495, %lt3A_497 : vector<512x128xi32>
    %select_n3A_499 = arith.select %lt3A_498, %roll3A_492, %roll3A_494 : vector<512x128xi1>, vector<512x128xf32>
    %swap3A_500 = arith.constant 10 : index
    %swap3A_501 = arith.constant 0 : index
    %swap3A_502 = arith.constant 0 : index
    %swap3A_503 = vector.load %arg2[%swap3A_500, %swap3A_501, %swap3A_502] : memref<32x512x128xf32, #tpu.memory_space<vmem>>, vector<1x512x128xf32>
    %swap3A_504 = vector.shape_cast %swap3A_503 : vector<1x512x128xf32> to vector<512x128xf32>
    %swap3A_505 = vector.shape_cast %select_n3A_499 : vector<512x128xf32> to vector<1x512x128xf32>
    tpu.vector_store %arg2[%swap3A_500, %swap3A_501, %swap3A_502], %swap3A_505 {strides = array<i32>} : memref<32x512x128xf32, #tpu.memory_space<vmem>>, vector<1x512x128xf32>,
    %add3A_506 = arith.constant 11 : i32
    %add3A_507 = arith.addi %mul3A_0, %add3A_506 : i32
    %sub3A_508 = arith.constant 2048 : i32
    %sub3A_509 = arith.subi %sub3A_508, %add3A_507 : i32
    %jit3A_510 = arith.constant 4 : i32
    %div3A_511 = arith.divsi %sub3A_509, %jit3A_510 : i32
    %sign3A_512 = arith.constant 0 : i32
    %sign3A_513 = arith.cmpi sgt, %sub3A_509, %sign3A_512 : i32
    %sign3A_514 = arith.extui %sign3A_513 : i1 to i32
    %sign3A_515 = arith.constant 0 : i32
    %sign3A_516 = arith.cmpi slt, %sub3A_509, %sign3A_515 : i32
    %sign3A_517 = arith.extui %sign3A_516 : i1 to i32
    %sign3A_518 = arith.subi %sign3A_514, %sign3A_517 : i32
    %sign3A_519 = arith.constant 0 : i32
    %sign3A_520 = arith.cmpi sgt, %jit3A_510, %sign3A_519 : i32
    %sign3A_521 = arith.extui %sign3A_520 : i1 to i32
    %sign3A_522 = arith.constant 0 : i32
    %sign3A_523 = arith.cmpi slt, %jit3A_510, %sign3A_522 : i32
    %sign3A_524 = arith.extui %sign3A_523 : i1 to i32
    %sign3A_525 = arith.subi %sign3A_521, %sign3A_524 : i32
    %ne3A_526 = arith.cmpi ne, %sign3A_518, %sign3A_525 : i32
    %rem3A_527 = arith.remsi %sub3A_509, %jit3A_510 : i32
    %ne3A_528 = arith.constant 0 : i32
    %ne3A_529 = arith.cmpi ne, %rem3A_527, %ne3A_528 : i32
    %and3A_530 = arith.andi %ne3A_526, %ne3A_529 : i1
    %sub3A_531 = arith.constant 1 : i32
    %sub3A_532 = arith.subi %div3A_511, %sub3A_531 : i32
    %select_n3A_533 = arith.select %and3A_530, %sub3A_532, %div3A_511 : i32
    %get3A_534 = arith.index_cast %select_n3A_533 : i32 to index
    %get3A_535 = arith.constant 0 : index
    %get3A_536 = vector.load %arg1[%get3A_534, %get3A_535] : memref<1024x128xf32, #tpu.memory_space<vmem>>, vector<512x128xf32>
    %add3A_537 = arith.constant 1 : i32
    %add3A_538 = arith.addi %select_n3A_533, %add3A_537 : i32
    %get3A_539 = arith.index_cast %add3A_538 : i32 to index
    %get3A_540 = arith.constant 0 : index
    %get3A_541 = vector.load %arg1[%get3A_539, %get3A_540] : memref<1024x128xf32, #tpu.memory_space<vmem>>, vector<512x128xf32>
    %roll3A_542 = arith.constant 96 : i32
    %roll3A_543 = tpu.dynamic_rotate %get3A_536 by %roll3A_542 dim 1 : vector<512x128xf32>, i32 -> vector<512x128xf32>
    %roll3A_544 = arith.constant 96 : i32
    %roll3A_545 = tpu.dynamic_rotate %get3A_541 by %roll3A_544 dim 1 : vector<512x128xf32>, i32 -> vector<512x128xf32>
    %iota3A_546 = tpu.iota {dimensions = array<i32: 1>} : vector<512x128xi32>
    %lt3A_547 = arith.constant 96 : i32
    %lt3A_548 = vector.broadcast %lt3A_547 : i32 to vector<512x128xi32>
    %lt3A_549 = arith.cmpi slt, %iota3A_546, %lt3A_548 : vector<512x128xi32>
    %select_n3A_550 = arith.select %lt3A_549, %roll3A_543, %roll3A_545 : vector<512x128xi1>, vector<512x128xf32>
    %swap3A_551 = arith.constant 11 : index
    %swap3A_552 = arith.constant 0 : index
    %swap3A_553 = arith.constant 0 : index
    %swap3A_554 = vector.load %arg2[%swap3A_551, %swap3A_552, %swap3A_553] : memref<32x512x128xf32, #tpu.memory_space<vmem>>, vector<1x512x128xf32>
    %swap3A_555 = vector.shape_cast %swap3A_554 : vector<1x512x128xf32> to vector<512x128xf32>
    %swap3A_556 = vector.shape_cast %select_n3A_550 : vector<512x128xf32> to vector<1x512x128xf32>
    tpu.vector_store %arg2[%swap3A_551, %swap3A_552, %swap3A_553], %swap3A_556 {strides = array<i32>} : memref<32x512x128xf32, #tpu.memory_space<vmem>>, vector<1x512x128xf32>,
    %add3A_557 = arith.constant 12 : i32
    %add3A_558 = arith.addi %mul3A_0, %add3A_557 : i32
    %sub3A_559 = arith.constant 2048 : i32
    %sub3A_560 = arith.subi %sub3A_559, %add3A_558 : i32
    %jit3A_561 = arith.constant 4 : i32
    %div3A_562 = arith.divsi %sub3A_560, %jit3A_561 : i32
    %sign3A_563 = arith.constant 0 : i32
    %sign3A_564 = arith.cmpi sgt, %sub3A_560, %sign3A_563 : i32
    %sign3A_565 = arith.extui %sign3A_564 : i1 to i32
    %sign3A_566 = arith.constant 0 : i32
    %sign3A_567 = arith.cmpi slt, %sub3A_560, %sign3A_566 : i32
    %sign3A_568 = arith.extui %sign3A_567 : i1 to i32
    %sign3A_569 = arith.subi %sign3A_565, %sign3A_568 : i32
    %sign3A_570 = arith.constant 0 : i32
    %sign3A_571 = arith.cmpi sgt, %jit3A_561, %sign3A_570 : i32
    %sign3A_572 = arith.extui %sign3A_571 : i1 to i32
    %sign3A_573 = arith.constant 0 : i32
    %sign3A_574 = arith.cmpi slt, %jit3A_561, %sign3A_573 : i32
    %sign3A_575 = arith.extui %sign3A_574 : i1 to i32
    %sign3A_576 = arith.subi %sign3A_572, %sign3A_575 : i32
    %ne3A_577 = arith.cmpi ne, %sign3A_569, %sign3A_576 : i32
    %rem3A_578 = arith.remsi %sub3A_560, %jit3A_561 : i32
    %ne3A_579 = arith.constant 0 : i32
    %ne3A_580 = arith.cmpi ne, %rem3A_578, %ne3A_579 : i32
    %and3A_581 = arith.andi %ne3A_577, %ne3A_580 : i1
    %sub3A_582 = arith.constant 1 : i32
    %sub3A_583 = arith.subi %div3A_562, %sub3A_582 : i32
    %select_n3A_584 = arith.select %and3A_581, %sub3A_583, %div3A_562 : i32
    %get3A_585 = arith.index_cast %select_n3A_584 : i32 to index
    %get3A_586 = arith.constant 0 : index
    %get3A_587 = vector.load %arg1[%get3A_585, %get3A_586] : memref<1024x128xf32, #tpu.memory_space<vmem>>, vector<512x128xf32>
    %swap3A_588 = arith.constant 12 : index
    %swap3A_589 = arith.constant 0 : index
    %swap3A_590 = arith.constant 0 : index
    %swap3A_591 = vector.load %arg2[%swap3A_588, %swap3A_589, %swap3A_590] : memref<32x512x128xf32, #tpu.memory_space<vmem>>, vector<1x512x128xf32>
    %swap3A_592 = vector.shape_cast %swap3A_591 : vector<1x512x128xf32> to vector<512x128xf32>
    %swap3A_593 = vector.shape_cast %get3A_587 : vector<512x128xf32> to vector<1x512x128xf32>
    tpu.vector_store %arg2[%swap3A_588, %swap3A_589, %swap3A_590], %swap3A_593 {strides = array<i32>} : memref<32x512x128xf32, #tpu.memory_space<vmem>>, vector<1x512x128xf32>,
    %add3A_594 = arith.constant 13 : i32
    %add3A_595 = arith.addi %mul3A_0, %add3A_594 : i32
    %sub3A_596 = arith.constant 2048 : i32
    %sub3A_597 = arith.subi %sub3A_596, %add3A_595 : i32
    %jit3A_598 = arith.constant 4 : i32
    %div3A_599 = arith.divsi %sub3A_597, %jit3A_598 : i32
    %sign3A_600 = arith.constant 0 : i32
    %sign3A_601 = arith.cmpi sgt, %sub3A_597, %sign3A_600 : i32
    %sign3A_602 = arith.extui %sign3A_601 : i1 to i32
    %sign3A_603 = arith.constant 0 : i32
    %sign3A_604 = arith.cmpi slt, %sub3A_597, %sign3A_603 : i32
    %sign3A_605 = arith.extui %sign3A_604 : i1 to i32
    %sign3A_606 = arith.subi %sign3A_602, %sign3A_605 : i32
    %sign3A_607 = arith.constant 0 : i32
    %sign3A_608 = arith.cmpi sgt, %jit3A_598, %sign3A_607 : i32
    %sign3A_609 = arith.extui %sign3A_608 : i1 to i32
    %sign3A_610 = arith.constant 0 : i32
    %sign3A_611 = arith.cmpi slt, %jit3A_598, %sign3A_610 : i32
    %sign3A_612 = arith.extui %sign3A_611 : i1 to i32
    %sign3A_613 = arith.subi %sign3A_609, %sign3A_612 : i32
    %ne3A_614 = arith.cmpi ne, %sign3A_606, %sign3A_613 : i32
    %rem3A_615 = arith.remsi %sub3A_597, %jit3A_598 : i32
    %ne3A_616 = arith.constant 0 : i32
    %ne3A_617 = arith.cmpi ne, %rem3A_615, %ne3A_616 : i32
    %and3A_618 = arith.andi %ne3A_614, %ne3A_617 : i1
    %sub3A_619 = arith.constant 1 : i32
    %sub3A_620 = arith.subi %div3A_599, %sub3A_619 : i32
    %select_n3A_621 = arith.select %and3A_618, %sub3A_620, %div3A_599 : i32
    %get3A_622 = arith.index_cast %select_n3A_621 : i32 to index
    %get3A_623 = arith.constant 0 : index
    %get3A_624 = vector.load %arg1[%get3A_622, %get3A_623] : memref<1024x128xf32, #tpu.memory_space<vmem>>, vector<512x128xf32>
    %add3A_625 = arith.constant 1 : i32
    %add3A_626 = arith.addi %select_n3A_621, %add3A_625 : i32
    %get3A_627 = arith.index_cast %add3A_626 : i32 to index
    %get3A_628 = arith.constant 0 : index
    %get3A_629 = vector.load %arg1[%get3A_627, %get3A_628] : memref<1024x128xf32, #tpu.memory_space<vmem>>, vector<512x128xf32>
    %roll3A_630 = arith.constant 32 : i32
    %roll3A_631 = tpu.dynamic_rotate %get3A_624 by %roll3A_630 dim 1 : vector<512x128xf32>, i32 -> vector<512x128xf32>
    %roll3A_632 = arith.constant 32 : i32
    %roll3A_633 = tpu.dynamic_rotate %get3A_629 by %roll3A_632 dim 1 : vector<512x128xf32>, i32 -> vector<512x128xf32>
    %iota3A_634 = tpu.iota {dimensions = array<i32: 1>} : vector<512x128xi32>
    %lt3A_635 = arith.constant 32 : i32
    %lt3A_636 = vector.broadcast %lt3A_635 : i32 to vector<512x128xi32>
    %lt3A_637 = arith.cmpi slt, %iota3A_634, %lt3A_636 : vector<512x128xi32>
    %select_n3A_638 = arith.select %lt3A_637, %roll3A_631, %roll3A_633 : vector<512x128xi1>, vector<512x128xf32>
    %swap3A_639 = arith.constant 13 : index
    %swap3A_640 = arith.constant 0 : index
    %swap3A_641 = arith.constant 0 : index
    %swap3A_642 = vector.load %arg2[%swap3A_639, %swap3A_640, %swap3A_641] : memref<32x512x128xf32, #tpu.memory_space<vmem>>, vector<1x512x128xf32>
    %swap3A_643 = vector.shape_cast %swap3A_642 : vector<1x512x128xf32> to vector<512x128xf32>
    %swap3A_644 = vector.shape_cast %select_n3A_638 : vector<512x128xf32> to vector<1x512x128xf32>
    tpu.vector_store %arg2[%swap3A_639, %swap3A_640, %swap3A_641], %swap3A_644 {strides = array<i32>} : memref<32x512x128xf32, #tpu.memory_space<vmem>>, vector<1x512x128xf32>,
    %add3A_645 = arith.constant 14 : i32
    %add3A_646 = arith.addi %mul3A_0, %add3A_645 : i32
    %sub3A_647 = arith.constant 2048 : i32
    %sub3A_648 = arith.subi %sub3A_647, %add3A_646 : i32
    %jit3A_649 = arith.constant 4 : i32
    %div3A_650 = arith.divsi %sub3A_648, %jit3A_649 : i32
    %sign3A_651 = arith.constant 0 : i32
    %sign3A_652 = arith.cmpi sgt, %sub3A_648, %sign3A_651 : i32
    %sign3A_653 = arith.extui %sign3A_652 : i1 to i32
    %sign3A_654 = arith.constant 0 : i32
    %sign3A_655 = arith.cmpi slt, %sub3A_648, %sign3A_654 : i32
    %sign3A_656 = arith.extui %sign3A_655 : i1 to i32
    %sign3A_657 = arith.subi %sign3A_653, %sign3A_656 : i32
    %sign3A_658 = arith.constant 0 : i32
    %sign3A_659 = arith.cmpi sgt, %jit3A_649, %sign3A_658 : i32
    %sign3A_660 = arith.extui %sign3A_659 : i1 to i32
    %sign3A_661 = arith.constant 0 : i32
    %sign3A_662 = arith.cmpi slt, %jit3A_649, %sign3A_661 : i32
    %sign3A_663 = arith.extui %sign3A_662 : i1 to i32
    %sign3A_664 = arith.subi %sign3A_660, %sign3A_663 : i32
    %ne3A_665 = arith.cmpi ne, %sign3A_657, %sign3A_664 : i32
    %rem3A_666 = arith.remsi %sub3A_648, %jit3A_649 : i32
    %ne3A_667 = arith.constant 0 : i32
    %ne3A_668 = arith.cmpi ne, %rem3A_666, %ne3A_667 : i32
    %and3A_669 = arith.andi %ne3A_665, %ne3A_668 : i1
    %sub3A_670 = arith.constant 1 : i32
    %sub3A_671 = arith.subi %div3A_650, %sub3A_670 : i32
    %select_n3A_672 = arith.select %and3A_669, %sub3A_671, %div3A_650 : i32
    %get3A_673 = arith.index_cast %select_n3A_672 : i32 to index
    %get3A_674 = arith.constant 0 : index
    %get3A_675 = vector.load %arg1[%get3A_673, %get3A_674] : memref<1024x128xf32, #tpu.memory_space<vmem>>, vector<512x128xf32>
    %add3A_676 = arith.constant 1 : i32
    %add3A_677 = arith.addi %select_n3A_672, %add3A_676 : i32
    %get3A_678 = arith.index_cast %add3A_677 : i32 to index
    %get3A_679 = arith.constant 0 : index
    %get3A_680 = vector.load %arg1[%get3A_678, %get3A_679] : memref<1024x128xf32, #tpu.memory_space<vmem>>, vector<512x128xf32>
    %roll3A_681 = arith.constant 64 : i32
    %roll3A_682 = tpu.dynamic_rotate %get3A_675 by %roll3A_681 dim 1 : vector<512x128xf32>, i32 -> vector<512x128xf32>
    %roll3A_683 = arith.constant 64 : i32
    %roll3A_684 = tpu.dynamic_rotate %get3A_680 by %roll3A_683 dim 1 : vector<512x128xf32>, i32 -> vector<512x128xf32>
    %iota3A_685 = tpu.iota {dimensions = array<i32: 1>} : vector<512x128xi32>
    %lt3A_686 = arith.constant 64 : i32
    %lt3A_687 = vector.broadcast %lt3A_686 : i32 to vector<512x128xi32>
    %lt3A_688 = arith.cmpi slt, %iota3A_685, %lt3A_687 : vector<512x128xi32>
    %select_n3A_689 = arith.select %lt3A_688, %roll3A_682, %roll3A_684 : vector<512x128xi1>, vector<512x128xf32>
    %swap3A_690 = arith.constant 14 : index
    %swap3A_691 = arith.constant 0 : index
    %swap3A_692 = arith.constant 0 : index
    %swap3A_693 = vector.load %arg2[%swap3A_690, %swap3A_691, %swap3A_692] : memref<32x512x128xf32, #tpu.memory_space<vmem>>, vector<1x512x128xf32>
    %swap3A_694 = vector.shape_cast %swap3A_693 : vector<1x512x128xf32> to vector<512x128xf32>
    %swap3A_695 = vector.shape_cast %select_n3A_689 : vector<512x128xf32> to vector<1x512x128xf32>
    tpu.vector_store %arg2[%swap3A_690, %swap3A_691, %swap3A_692], %swap3A_695 {strides = array<i32>} : memref<32x512x128xf32, #tpu.memory_space<vmem>>, vector<1x512x128xf32>,
    %add3A_696 = arith.constant 15 : i32
    %add3A_697 = arith.addi %mul3A_0, %add3A_696 : i32
    %sub3A_698 = arith.constant 2048 : i32
    %sub3A_699 = arith.subi %sub3A_698, %add3A_697 : i32
    %jit3A_700 = arith.constant 4 : i32
    %div3A_701 = arith.divsi %sub3A_699, %jit3A_700 : i32
    %sign3A_702 = arith.constant 0 : i32
    %sign3A_703 = arith.cmpi sgt, %sub3A_699, %sign3A_702 : i32
    %sign3A_704 = arith.extui %sign3A_703 : i1 to i32
    %sign3A_705 = arith.constant 0 : i32
    %sign3A_706 = arith.cmpi slt, %sub3A_699, %sign3A_705 : i32
    %sign3A_707 = arith.extui %sign3A_706 : i1 to i32
    %sign3A_708 = arith.subi %sign3A_704, %sign3A_707 : i32
    %sign3A_709 = arith.constant 0 : i32
    %sign3A_710 = arith.cmpi sgt, %jit3A_700, %sign3A_709 : i32
    %sign3A_711 = arith.extui %sign3A_710 : i1 to i32
    %sign3A_712 = arith.constant 0 : i32
    %sign3A_713 = arith.cmpi slt, %jit3A_700, %sign3A_712 : i32
    %sign3A_714 = arith.extui %sign3A_713 : i1 to i32
    %sign3A_715 = arith.subi %sign3A_711, %sign3A_714 : i32
    %ne3A_716 = arith.cmpi ne, %sign3A_708, %sign3A_715 : i32
    %rem3A_717 = arith.remsi %sub3A_699, %jit3A_700 : i32
    %ne3A_718 = arith.constant 0 : i32
    %ne3A_719 = arith.cmpi ne, %rem3A_717, %ne3A_718 : i32
    %and3A_720 = arith.andi %ne3A_716, %ne3A_719 : i1
    %sub3A_721 = arith.constant 1 : i32
    %sub3A_722 = arith.subi %div3A_701, %sub3A_721 : i32
    %select_n3A_723 = arith.select %and3A_720, %sub3A_722, %div3A_701 : i32
    %get3A_724 = arith.index_cast %select_n3A_723 : i32 to index
    %get3A_725 = arith.constant 0 : index
    %get3A_726 = vector.load %arg1[%get3A_724, %get3A_725] : memref<1024x128xf32, #tpu.memory_space<vmem>>, vector<512x128xf32>
    %add3A_727 = arith.constant 1 : i32
    %add3A_728 = arith.addi %select_n3A_723, %add3A_727 : i32
    %get3A_729 = arith.index_cast %add3A_728 : i32 to index
    %get3A_730 = arith.constant 0 : index
    %get3A_731 = vector.load %arg1[%get3A_729, %get3A_730] : memref<1024x128xf32, #tpu.memory_space<vmem>>, vector<512x128xf32>
    %roll3A_732 = arith.constant 96 : i32
    %roll3A_733 = tpu.dynamic_rotate %get3A_726 by %roll3A_732 dim 1 : vector<512x128xf32>, i32 -> vector<512x128xf32>
    %roll3A_734 = arith.constant 96 : i32
    %roll3A_735 = tpu.dynamic_rotate %get3A_731 by %roll3A_734 dim 1 : vector<512x128xf32>, i32 -> vector<512x128xf32>
    %iota3A_736 = tpu.iota {dimensions = array<i32: 1>} : vector<512x128xi32>
    %lt3A_737 = arith.constant 96 : i32
    %lt3A_738 = vector.broadcast %lt3A_737 : i32 to vector<512x128xi32>
    %lt3A_739 = arith.cmpi slt, %iota3A_736, %lt3A_738 : vector<512x128xi32>
    %select_n3A_740 = arith.select %lt3A_739, %roll3A_733, %roll3A_735 : vector<512x128xi1>, vector<512x128xf32>
    %swap3A_741 = arith.constant 15 : index
    %swap3A_742 = arith.constant 0 : index
    %swap3A_743 = arith.constant 0 : index
    %swap3A_744 = vector.load %arg2[%swap3A_741, %swap3A_742, %swap3A_743] : memref<32x512x128xf32, #tpu.memory_space<vmem>>, vector<1x512x128xf32>
    %swap3A_745 = vector.shape_cast %swap3A_744 : vector<1x512x128xf32> to vector<512x128xf32>
    %swap3A_746 = vector.shape_cast %select_n3A_740 : vector<512x128xf32> to vector<1x512x128xf32>
    tpu.vector_store %arg2[%swap3A_741, %swap3A_742, %swap3A_743], %swap3A_746 {strides = array<i32>} : memref<32x512x128xf32, #tpu.memory_space<vmem>>, vector<1x512x128xf32>,
    %add3A_747 = arith.constant 16 : i32
    %add3A_748 = arith.addi %mul3A_0, %add3A_747 : i32
    %sub3A_749 = arith.constant 2048 : i32
    %sub3A_750 = arith.subi %sub3A_749, %add3A_748 : i32
    %jit3A_751 = arith.constant 4 : i32
    %div3A_752 = arith.divsi %sub3A_750, %jit3A_751 : i32
    %sign3A_753 = arith.constant 0 : i32
    %sign3A_754 = arith.cmpi sgt, %sub3A_750, %sign3A_753 : i32
    %sign3A_755 = arith.extui %sign3A_754 : i1 to i32
    %sign3A_756 = arith.constant 0 : i32
    %sign3A_757 = arith.cmpi slt, %sub3A_750, %sign3A_756 : i32
    %sign3A_758 = arith.extui %sign3A_757 : i1 to i32
    %sign3A_759 = arith.subi %sign3A_755, %sign3A_758 : i32
    %sign3A_760 = arith.constant 0 : i32
    %sign3A_761 = arith.cmpi sgt, %jit3A_751, %sign3A_760 : i32
    %sign3A_762 = arith.extui %sign3A_761 : i1 to i32
    %sign3A_763 = arith.constant 0 : i32
    %sign3A_764 = arith.cmpi slt, %jit3A_751, %sign3A_763 : i32
    %sign3A_765 = arith.extui %sign3A_764 : i1 to i32
    %sign3A_766 = arith.subi %sign3A_762, %sign3A_765 : i32
    %ne3A_767 = arith.cmpi ne, %sign3A_759, %sign3A_766 : i32
    %rem3A_768 = arith.remsi %sub3A_750, %jit3A_751 : i32
    %ne3A_769 = arith.constant 0 : i32
    %ne3A_770 = arith.cmpi ne, %rem3A_768, %ne3A_769 : i32
    %and3A_771 = arith.andi %ne3A_767, %ne3A_770 : i1
    %sub3A_772 = arith.constant 1 : i32
    %sub3A_773 = arith.subi %div3A_752, %sub3A_772 : i32
    %select_n3A_774 = arith.select %and3A_771, %sub3A_773, %div3A_752 : i32
    %get3A_775 = arith.index_cast %select_n3A_774 : i32 to index
    %get3A_776 = arith.constant 0 : index
    %get3A_777 = vector.load %arg1[%get3A_775, %get3A_776] : memref<1024x128xf32, #tpu.memory_space<vmem>>, vector<512x128xf32>
    %swap3A_778 = arith.constant 16 : index
    %swap3A_779 = arith.constant 0 : index
    %swap3A_780 = arith.constant 0 : index
    %swap3A_781 = vector.load %arg2[%swap3A_778, %swap3A_779, %swap3A_780] : memref<32x512x128xf32, #tpu.memory_space<vmem>>, vector<1x512x128xf32>
    %swap3A_782 = vector.shape_cast %swap3A_781 : vector<1x512x128xf32> to vector<512x128xf32>
    %swap3A_783 = vector.shape_cast %get3A_777 : vector<512x128xf32> to vector<1x512x128xf32>
    tpu.vector_store %arg2[%swap3A_778, %swap3A_779, %swap3A_780], %swap3A_783 {strides = array<i32>} : memref<32x512x128xf32, #tpu.memory_space<vmem>>, vector<1x512x128xf32>,
    %add3A_784 = arith.constant 17 : i32
    %add3A_785 = arith.addi %mul3A_0, %add3A_784 : i32
    %sub3A_786 = arith.constant 2048 : i32
    %sub3A_787 = arith.subi %sub3A_786, %add3A_785 : i32
    %jit3A_788 = arith.constant 4 : i32
    %div3A_789 = arith.divsi %sub3A_787, %jit3A_788 : i32
    %sign3A_790 = arith.constant 0 : i32
    %sign3A_791 = arith.cmpi sgt, %sub3A_787, %sign3A_790 : i32
    %sign3A_792 = arith.extui %sign3A_791 : i1 to i32
    %sign3A_793 = arith.constant 0 : i32
    %sign3A_794 = arith.cmpi slt, %sub3A_787, %sign3A_793 : i32
    %sign3A_795 = arith.extui %sign3A_794 : i1 to i32
    %sign3A_796 = arith.subi %sign3A_792, %sign3A_795 : i32
    %sign3A_797 = arith.constant 0 : i32
    %sign3A_798 = arith.cmpi sgt, %jit3A_788, %sign3A_797 : i32
    %sign3A_799 = arith.extui %sign3A_798 : i1 to i32
    %sign3A_800 = arith.constant 0 : i32
    %sign3A_801 = arith.cmpi slt, %jit3A_788, %sign3A_800 : i32
    %sign3A_802 = arith.extui %sign3A_801 : i1 to i32
    %sign3A_803 = arith.subi %sign3A_799, %sign3A_802 : i32
    %ne3A_804 = arith.cmpi ne, %sign3A_796, %sign3A_803 : i32
    %rem3A_805 = arith.remsi %sub3A_787, %jit3A_788 : i32
    %ne3A_806 = arith.constant 0 : i32
    %ne3A_807 = arith.cmpi ne, %rem3A_805, %ne3A_806 : i32
    %and3A_808 = arith.andi %ne3A_804, %ne3A_807 : i1
    %sub3A_809 = arith.constant 1 : i32
    %sub3A_810 = arith.subi %div3A_789, %sub3A_809 : i32
    %select_n3A_811 = arith.select %and3A_808, %sub3A_810, %div3A_789 : i32
    %get3A_812 = arith.index_cast %select_n3A_811 : i32 to index
    %get3A_813 = arith.constant 0 : index
    %get3A_814 = vector.load %arg1[%get3A_812, %get3A_813] : memref<1024x128xf32, #tpu.memory_space<vmem>>, vector<512x128xf32>
    %add3A_815 = arith.constant 1 : i32
    %add3A_816 = arith.addi %select_n3A_811, %add3A_815 : i32
    %get3A_817 = arith.index_cast %add3A_816 : i32 to index
    %get3A_818 = arith.constant 0 : index
    %get3A_819 = vector.load %arg1[%get3A_817, %get3A_818] : memref<1024x128xf32, #tpu.memory_space<vmem>>, vector<512x128xf32>
    %roll3A_820 = arith.constant 32 : i32
    %roll3A_821 = tpu.dynamic_rotate %get3A_814 by %roll3A_820 dim 1 : vector<512x128xf32>, i32 -> vector<512x128xf32>
    %roll3A_822 = arith.constant 32 : i32
    %roll3A_823 = tpu.dynamic_rotate %get3A_819 by %roll3A_822 dim 1 : vector<512x128xf32>, i32 -> vector<512x128xf32>
    %iota3A_824 = tpu.iota {dimensions = array<i32: 1>} : vector<512x128xi32>
    %lt3A_825 = arith.constant 32 : i32
    %lt3A_826 = vector.broadcast %lt3A_825 : i32 to vector<512x128xi32>
    %lt3A_827 = arith.cmpi slt, %iota3A_824, %lt3A_826 : vector<512x128xi32>
    %select_n3A_828 = arith.select %lt3A_827, %roll3A_821, %roll3A_823 : vector<512x128xi1>, vector<512x128xf32>
    %swap3A_829 = arith.constant 17 : index
    %swap3A_830 = arith.constant 0 : index
    %swap3A_831 = arith.constant 0 : index
    %swap3A_832 = vector.load %arg2[%swap3A_829, %swap3A_830, %swap3A_831] : memref<32x512x128xf32, #tpu.memory_space<vmem>>, vector<1x512x128xf32>
    %swap3A_833 = vector.shape_cast %swap3A_832 : vector<1x512x128xf32> to vector<512x128xf32>
    %swap3A_834 = vector.shape_cast %select_n3A_828 : vector<512x128xf32> to vector<1x512x128xf32>
    tpu.vector_store %arg2[%swap3A_829, %swap3A_830, %swap3A_831], %swap3A_834 {strides = array<i32>} : memref<32x512x128xf32, #tpu.memory_space<vmem>>, vector<1x512x128xf32>,
    %add3A_835 = arith.constant 18 : i32
    %add3A_836 = arith.addi %mul3A_0, %add3A_835 : i32
    %sub3A_837 = arith.constant 2048 : i32
    %sub3A_838 = arith.subi %sub3A_837, %add3A_836 : i32
    %jit3A_839 = arith.constant 4 : i32
    %div3A_840 = arith.divsi %sub3A_838, %jit3A_839 : i32
    %sign3A_841 = arith.constant 0 : i32
    %sign3A_842 = arith.cmpi sgt, %sub3A_838, %sign3A_841 : i32
    %sign3A_843 = arith.extui %sign3A_842 : i1 to i32
    %sign3A_844 = arith.constant 0 : i32
    %sign3A_845 = arith.cmpi slt, %sub3A_838, %sign3A_844 : i32
    %sign3A_846 = arith.extui %sign3A_845 : i1 to i32
    %sign3A_847 = arith.subi %sign3A_843, %sign3A_846 : i32
    %sign3A_848 = arith.constant 0 : i32
    %sign3A_849 = arith.cmpi sgt, %jit3A_839, %sign3A_848 : i32
    %sign3A_850 = arith.extui %sign3A_849 : i1 to i32
    %sign3A_851 = arith.constant 0 : i32
    %sign3A_852 = arith.cmpi slt, %jit3A_839, %sign3A_851 : i32
    %sign3A_853 = arith.extui %sign3A_852 : i1 to i32
    %sign3A_854 = arith.subi %sign3A_850, %sign3A_853 : i32
    %ne3A_855 = arith.cmpi ne, %sign3A_847, %sign3A_854 : i32
    %rem3A_856 = arith.remsi %sub3A_838, %jit3A_839 : i32
    %ne3A_857 = arith.constant 0 : i32
    %ne3A_858 = arith.cmpi ne, %rem3A_856, %ne3A_857 : i32
    %and3A_859 = arith.andi %ne3A_855, %ne3A_858 : i1
    %sub3A_860 = arith.constant 1 : i32
    %sub3A_861 = arith.subi %div3A_840, %sub3A_860 : i32
    %select_n3A_862 = arith.select %and3A_859, %sub3A_861, %div3A_840 : i32
    %get3A_863 = arith.index_cast %select_n3A_862 : i32 to index
    %get3A_864 = arith.constant 0 : index
    %get3A_865 = vector.load %arg1[%get3A_863, %get3A_864] : memref<1024x128xf32, #tpu.memory_space<vmem>>, vector<512x128xf32>
    %add3A_866 = arith.constant 1 : i32
    %add3A_867 = arith.addi %select_n3A_862, %add3A_866 : i32
    %get3A_868 = arith.index_cast %add3A_867 : i32 to index
    %get3A_869 = arith.constant 0 : index
    %get3A_870 = vector.load %arg1[%get3A_868, %get3A_869] : memref<1024x128xf32, #tpu.memory_space<vmem>>, vector<512x128xf32>
    %roll3A_871 = arith.constant 64 : i32
    %roll3A_872 = tpu.dynamic_rotate %get3A_865 by %roll3A_871 dim 1 : vector<512x128xf32>, i32 -> vector<512x128xf32>
    %roll3A_873 = arith.constant 64 : i32
    %roll3A_874 = tpu.dynamic_rotate %get3A_870 by %roll3A_873 dim 1 : vector<512x128xf32>, i32 -> vector<512x128xf32>
    %iota3A_875 = tpu.iota {dimensions = array<i32: 1>} : vector<512x128xi32>
    %lt3A_876 = arith.constant 64 : i32
    %lt3A_877 = vector.broadcast %lt3A_876 : i32 to vector<512x128xi32>
    %lt3A_878 = arith.cmpi slt, %iota3A_875, %lt3A_877 : vector<512x128xi32>
    %select_n3A_879 = arith.select %lt3A_878, %roll3A_872, %roll3A_874 : vector<512x128xi1>, vector<512x128xf32>
    %swap3A_880 = arith.constant 18 : index
    %swap3A_881 = arith.constant 0 : index
    %swap3A_882 = arith.constant 0 : index
    %swap3A_883 = vector.load %arg2[%swap3A_880, %swap3A_881, %swap3A_882] : memref<32x512x128xf32, #tpu.memory_space<vmem>>, vector<1x512x128xf32>
    %swap3A_884 = vector.shape_cast %swap3A_883 : vector<1x512x128xf32> to vector<512x128xf32>
    %swap3A_885 = vector.shape_cast %select_n3A_879 : vector<512x128xf32> to vector<1x512x128xf32>
    tpu.vector_store %arg2[%swap3A_880, %swap3A_881, %swap3A_882], %swap3A_885 {strides = array<i32>} : memref<32x512x128xf32, #tpu.memory_space<vmem>>, vector<1x512x128xf32>,
    %add3A_886 = arith.constant 19 : i32
    %add3A_887 = arith.addi %mul3A_0, %add3A_886 : i32
    %sub3A_888 = arith.constant 2048 : i32
    %sub3A_889 = arith.subi %sub3A_888, %add3A_887 : i32
    %jit3A_890 = arith.constant 4 : i32
    %div3A_891 = arith.divsi %sub3A_889, %jit3A_890 : i32
    %sign3A_892 = arith.constant 0 : i32
    %sign3A_893 = arith.cmpi sgt, %sub3A_889, %sign3A_892 : i32
    %sign3A_894 = arith.extui %sign3A_893 : i1 to i32
    %sign3A_895 = arith.constant 0 : i32
    %sign3A_896 = arith.cmpi slt, %sub3A_889, %sign3A_895 : i32
    %sign3A_897 = arith.extui %sign3A_896 : i1 to i32
    %sign3A_898 = arith.subi %sign3A_894, %sign3A_897 : i32
    %sign3A_899 = arith.constant 0 : i32
    %sign3A_900 = arith.cmpi sgt, %jit3A_890, %sign3A_899 : i32
    %sign3A_901 = arith.extui %sign3A_900 : i1 to i32
    %sign3A_902 = arith.constant 0 : i32
    %sign3A_903 = arith.cmpi slt, %jit3A_890, %sign3A_902 : i32
    %sign3A_904 = arith.extui %sign3A_903 : i1 to i32
    %sign3A_905 = arith.subi %sign3A_901, %sign3A_904 : i32
    %ne3A_906 = arith.cmpi ne, %sign3A_898, %sign3A_905 : i32
    %rem3A_907 = arith.remsi %sub3A_889, %jit3A_890 : i32
    %ne3A_908 = arith.constant 0 : i32
    %ne3A_909 = arith.cmpi ne, %rem3A_907, %ne3A_908 : i32
    %and3A_910 = arith.andi %ne3A_906, %ne3A_909 : i1
    %sub3A_911 = arith.constant 1 : i32
    %sub3A_912 = arith.subi %div3A_891, %sub3A_911 : i32
    %select_n3A_913 = arith.select %and3A_910, %sub3A_912, %div3A_891 : i32
    %get3A_914 = arith.index_cast %select_n3A_913 : i32 to index
    %get3A_915 = arith.constant 0 : index
    %get3A_916 = vector.load %arg1[%get3A_914, %get3A_915] : memref<1024x128xf32, #tpu.memory_space<vmem>>, vector<512x128xf32>
    %add3A_917 = arith.constant 1 : i32
    %add3A_918 = arith.addi %select_n3A_913, %add3A_917 : i32
    %get3A_919 = arith.index_cast %add3A_918 : i32 to index
    %get3A_920 = arith.constant 0 : index
    %get3A_921 = vector.load %arg1[%get3A_919, %get3A_920] : memref<1024x128xf32, #tpu.memory_space<vmem>>, vector<512x128xf32>
    %roll3A_922 = arith.constant 96 : i32
    %roll3A_923 = tpu.dynamic_rotate %get3A_916 by %roll3A_922 dim 1 : vector<512x128xf32>, i32 -> vector<512x128xf32>
    %roll3A_924 = arith.constant 96 : i32
    %roll3A_925 = tpu.dynamic_rotate %get3A_921 by %roll3A_924 dim 1 : vector<512x128xf32>, i32 -> vector<512x128xf32>
    %iota3A_926 = tpu.iota {dimensions = array<i32: 1>} : vector<512x128xi32>
    %lt3A_927 = arith.constant 96 : i32
    %lt3A_928 = vector.broadcast %lt3A_927 : i32 to vector<512x128xi32>
    %lt3A_929 = arith.cmpi slt, %iota3A_926, %lt3A_928 : vector<512x128xi32>
    %select_n3A_930 = arith.select %lt3A_929, %roll3A_923, %roll3A_925 : vector<512x128xi1>, vector<512x128xf32>
    %swap3A_931 = arith.constant 19 : index
    %swap3A_932 = arith.constant 0 : index
    %swap3A_933 = arith.constant 0 : index
    %swap3A_934 = vector.load %arg2[%swap3A_931, %swap3A_932, %swap3A_933] : memref<32x512x128xf32, #tpu.memory_space<vmem>>, vector<1x512x128xf32>
    %swap3A_935 = vector.shape_cast %swap3A_934 : vector<1x512x128xf32> to vector<512x128xf32>
    %swap3A_936 = vector.shape_cast %select_n3A_930 : vector<512x128xf32> to vector<1x512x128xf32>
    tpu.vector_store %arg2[%swap3A_931, %swap3A_932, %swap3A_933], %swap3A_936 {strides = array<i32>} : memref<32x512x128xf32, #tpu.memory_space<vmem>>, vector<1x512x128xf32>,
    %add3A_937 = arith.constant 20 : i32
    %add3A_938 = arith.addi %mul3A_0, %add3A_937 : i32
    %sub3A_939 = arith.constant 2048 : i32
    %sub3A_940 = arith.subi %sub3A_939, %add3A_938 : i32
    %jit3A_941 = arith.constant 4 : i32
    %div3A_942 = arith.divsi %sub3A_940, %jit3A_941 : i32
    %sign3A_943 = arith.constant 0 : i32
    %sign3A_944 = arith.cmpi sgt, %sub3A_940, %sign3A_943 : i32
    %sign3A_945 = arith.extui %sign3A_944 : i1 to i32
    %sign3A_946 = arith.constant 0 : i32
    %sign3A_947 = arith.cmpi slt, %sub3A_940, %sign3A_946 : i32
    %sign3A_948 = arith.extui %sign3A_947 : i1 to i32
    %sign3A_949 = arith.subi %sign3A_945, %sign3A_948 : i32
    %sign3A_950 = arith.constant 0 : i32
    %sign3A_951 = arith.cmpi sgt, %jit3A_941, %sign3A_950 : i32
    %sign3A_952 = arith.extui %sign3A_951 : i1 to i32
    %sign3A_953 = arith.constant 0 : i32
    %sign3A_954 = arith.cmpi slt, %jit3A_941, %sign3A_953 : i32
    %sign3A_955 = arith.extui %sign3A_954 : i1 to i32
    %sign3A_956 = arith.subi %sign3A_952, %sign3A_955 : i32
    %ne3A_957 = arith.cmpi ne, %sign3A_949, %sign3A_956 : i32
    %rem3A_958 = arith.remsi %sub3A_940, %jit3A_941 : i32
    %ne3A_959 = arith.constant 0 : i32
    %ne3A_960 = arith.cmpi ne, %rem3A_958, %ne3A_959 : i32
    %and3A_961 = arith.andi %ne3A_957, %ne3A_960 : i1
    %sub3A_962 = arith.constant 1 : i32
    %sub3A_963 = arith.subi %div3A_942, %sub3A_962 : i32
    %select_n3A_964 = arith.select %and3A_961, %sub3A_963, %div3A_942 : i32
    %get3A_965 = arith.index_cast %select_n3A_964 : i32 to index
    %get3A_966 = arith.constant 0 : index
    %get3A_967 = vector.load %arg1[%get3A_965, %get3A_966] : memref<1024x128xf32, #tpu.memory_space<vmem>>, vector<512x128xf32>
    %swap3A_968 = arith.constant 20 : index
    %swap3A_969 = arith.constant 0 : index
    %swap3A_970 = arith.constant 0 : index
    %swap3A_971 = vector.load %arg2[%swap3A_968, %swap3A_969, %swap3A_970] : memref<32x512x128xf32, #tpu.memory_space<vmem>>, vector<1x512x128xf32>
    %swap3A_972 = vector.shape_cast %swap3A_971 : vector<1x512x128xf32> to vector<512x128xf32>
    %swap3A_973 = vector.shape_cast %get3A_967 : vector<512x128xf32> to vector<1x512x128xf32>
    tpu.vector_store %arg2[%swap3A_968, %swap3A_969, %swap3A_970], %swap3A_973 {strides = array<i32>} : memref<32x512x128xf32, #tpu.memory_space<vmem>>, vector<1x512x128xf32>,
    %add3A_974 = arith.constant 21 : i32
    %add3A_975 = arith.addi %mul3A_0, %add3A_974 : i32
    %sub3A_976 = arith.constant 2048 : i32
    %sub3A_977 = arith.subi %sub3A_976, %add3A_975 : i32
    %jit3A_978 = arith.constant 4 : i32
    %div3A_979 = arith.divsi %sub3A_977, %jit3A_978 : i32
    %sign3A_980 = arith.constant 0 : i32
    %sign3A_981 = arith.cmpi sgt, %sub3A_977, %sign3A_980 : i32
    %sign3A_982 = arith.extui %sign3A_981 : i1 to i32
    %sign3A_983 = arith.constant 0 : i32
    %sign3A_984 = arith.cmpi slt, %sub3A_977, %sign3A_983 : i32
    %sign3A_985 = arith.extui %sign3A_984 : i1 to i32
    %sign3A_986 = arith.subi %sign3A_982, %sign3A_985 : i32
    %sign3A_987 = arith.constant 0 : i32
    %sign3A_988 = arith.cmpi sgt, %jit3A_978, %sign3A_987 : i32
    %sign3A_989 = arith.extui %sign3A_988 : i1 to i32
    %sign3A_990 = arith.constant 0 : i32
    %sign3A_991 = arith.cmpi slt, %jit3A_978, %sign3A_990 : i32
    %sign3A_992 = arith.extui %sign3A_991 : i1 to i32
    %sign3A_993 = arith.subi %sign3A_989, %sign3A_992 : i32
    %ne3A_994 = arith.cmpi ne, %sign3A_986, %sign3A_993 : i32
    %rem3A_995 = arith.remsi %sub3A_977, %jit3A_978 : i32
    %ne3A_996 = arith.constant 0 : i32
    %ne3A_997 = arith.cmpi ne, %rem3A_995, %ne3A_996 : i32
    %and3A_998 = arith.andi %ne3A_994, %ne3A_997 : i1
    %sub3A_999 = arith.constant 1 : i32
    %sub3A_1000 = arith.subi %div3A_979, %sub3A_999 : i32
    %select_n3A_1001 = arith.select %and3A_998, %sub3A_1000, %div3A_979 : i32
    %get3A_1002 = arith.index_cast %select_n3A_1001 : i32 to index
    %get3A_1003 = arith.constant 0 : index
    %get3A_1004 = vector.load %arg1[%get3A_1002, %get3A_1003] : memref<1024x128xf32, #tpu.memory_space<vmem>>, vector<512x128xf32>
    %add3A_1005 = arith.constant 1 : i32
    %add3A_1006 = arith.addi %select_n3A_1001, %add3A_1005 : i32
    %get3A_1007 = arith.index_cast %add3A_1006 : i32 to index
    %get3A_1008 = arith.constant 0 : index
    %get3A_1009 = vector.load %arg1[%get3A_1007, %get3A_1008] : memref<1024x128xf32, #tpu.memory_space<vmem>>, vector<512x128xf32>
    %roll3A_1010 = arith.constant 32 : i32
    %roll3A_1011 = tpu.dynamic_rotate %get3A_1004 by %roll3A_1010 dim 1 : vector<512x128xf32>, i32 -> vector<512x128xf32>
    %roll3A_1012 = arith.constant 32 : i32
    %roll3A_1013 = tpu.dynamic_rotate %get3A_1009 by %roll3A_1012 dim 1 : vector<512x128xf32>, i32 -> vector<512x128xf32>
    %iota3A_1014 = tpu.iota {dimensions = array<i32: 1>} : vector<512x128xi32>
    %lt3A_1015 = arith.constant 32 : i32
    %lt3A_1016 = vector.broadcast %lt3A_1015 : i32 to vector<512x128xi32>
    %lt3A_1017 = arith.cmpi slt, %iota3A_1014, %lt3A_1016 : vector<512x128xi32>
    %select_n3A_1018 = arith.select %lt3A_1017, %roll3A_1011, %roll3A_1013 : vector<512x128xi1>, vector<512x128xf32>
    %swap3A_1019 = arith.constant 21 : index
    %swap3A_1020 = arith.constant 0 : index
    %swap3A_1021 = arith.constant 0 : index
    %swap3A_1022 = vector.load %arg2[%swap3A_1019, %swap3A_1020, %swap3A_1021] : memref<32x512x128xf32, #tpu.memory_space<vmem>>, vector<1x512x128xf32>
    %swap3A_1023 = vector.shape_cast %swap3A_1022 : vector<1x512x128xf32> to vector<512x128xf32>
    %swap3A_1024 = vector.shape_cast %select_n3A_1018 : vector<512x128xf32> to vector<1x512x128xf32>
    tpu.vector_store %arg2[%swap3A_1019, %swap3A_1020, %swap3A_1021], %swap3A_1024 {strides = array<i32>} : memref<32x512x128xf32, #tpu.memory_space<vmem>>, vector<1x512x128xf32>,
    %add3A_1025 = arith.constant 22 : i32
    %add3A_1026 = arith.addi %mul3A_0, %add3A_1025 : i32
    %sub3A_1027 = arith.constant 2048 : i32
    %sub3A_1028 = arith.subi %sub3A_1027, %add3A_1026 : i32
    %jit3A_1029 = arith.constant 4 : i32
    %div3A_1030 = arith.divsi %sub3A_1028, %jit3A_1029 : i32
    %sign3A_1031 = arith.constant 0 : i32
    %sign3A_1032 = arith.cmpi sgt, %sub3A_1028, %sign3A_1031 : i32
    %sign3A_1033 = arith.extui %sign3A_1032 : i1 to i32
    %sign3A_1034 = arith.constant 0 : i32
    %sign3A_1035 = arith.cmpi slt, %sub3A_1028, %sign3A_1034 : i32
    %sign3A_1036 = arith.extui %sign3A_1035 : i1 to i32
    %sign3A_1037 = arith.subi %sign3A_1033, %sign3A_1036 : i32
    %sign3A_1038 = arith.constant 0 : i32
    %sign3A_1039 = arith.cmpi sgt, %jit3A_1029, %sign3A_1038 : i32
    %sign3A_1040 = arith.extui %sign3A_1039 : i1 to i32
    %sign3A_1041 = arith.constant 0 : i32
    %sign3A_1042 = arith.cmpi slt, %jit3A_1029, %sign3A_1041 : i32
    %sign3A_1043 = arith.extui %sign3A_1042 : i1 to i32
    %sign3A_1044 = arith.subi %sign3A_1040, %sign3A_1043 : i32
    %ne3A_1045 = arith.cmpi ne, %sign3A_1037, %sign3A_1044 : i32
    %rem3A_1046 = arith.remsi %sub3A_1028, %jit3A_1029 : i32
    %ne3A_1047 = arith.constant 0 : i32
    %ne3A_1048 = arith.cmpi ne, %rem3A_1046, %ne3A_1047 : i32
    %and3A_1049 = arith.andi %ne3A_1045, %ne3A_1048 : i1
    %sub3A_1050 = arith.constant 1 : i32
    %sub3A_1051 = arith.subi %div3A_1030, %sub3A_1050 : i32
    %select_n3A_1052 = arith.select %and3A_1049, %sub3A_1051, %div3A_1030 : i32
    %get3A_1053 = arith.index_cast %select_n3A_1052 : i32 to index
    %get3A_1054 = arith.constant 0 : index
    %get3A_1055 = vector.load %arg1[%get3A_1053, %get3A_1054] : memref<1024x128xf32, #tpu.memory_space<vmem>>, vector<512x128xf32>
    %add3A_1056 = arith.constant 1 : i32
    %add3A_1057 = arith.addi %select_n3A_1052, %add3A_1056 : i32
    %get3A_1058 = arith.index_cast %add3A_1057 : i32 to index
    %get3A_1059 = arith.constant 0 : index
    %get3A_1060 = vector.load %arg1[%get3A_1058, %get3A_1059] : memref<1024x128xf32, #tpu.memory_space<vmem>>, vector<512x128xf32>
    %roll3A_1061 = arith.constant 64 : i32
    %roll3A_1062 = tpu.dynamic_rotate %get3A_1055 by %roll3A_1061 dim 1 : vector<512x128xf32>, i32 -> vector<512x128xf32>
    %roll3A_1063 = arith.constant 64 : i32
    %roll3A_1064 = tpu.dynamic_rotate %get3A_1060 by %roll3A_1063 dim 1 : vector<512x128xf32>, i32 -> vector<512x128xf32>
    %iota3A_1065 = tpu.iota {dimensions = array<i32: 1>} : vector<512x128xi32>
    %lt3A_1066 = arith.constant 64 : i32
    %lt3A_1067 = vector.broadcast %lt3A_1066 : i32 to vector<512x128xi32>
    %lt3A_1068 = arith.cmpi slt, %iota3A_1065, %lt3A_1067 : vector<512x128xi32>
    %select_n3A_1069 = arith.select %lt3A_1068, %roll3A_1062, %roll3A_1064 : vector<512x128xi1>, vector<512x128xf32>
    %swap3A_1070 = arith.constant 22 : index
    %swap3A_1071 = arith.constant 0 : index
    %swap3A_1072 = arith.constant 0 : index
    %swap3A_1073 = vector.load %arg2[%swap3A_1070, %swap3A_1071, %swap3A_1072] : memref<32x512x128xf32, #tpu.memory_space<vmem>>, vector<1x512x128xf32>
    %swap3A_1074 = vector.shape_cast %swap3A_1073 : vector<1x512x128xf32> to vector<512x128xf32>
    %swap3A_1075 = vector.shape_cast %select_n3A_1069 : vector<512x128xf32> to vector<1x512x128xf32>
    tpu.vector_store %arg2[%swap3A_1070, %swap3A_1071, %swap3A_1072], %swap3A_1075 {strides = array<i32>} : memref<32x512x128xf32, #tpu.memory_space<vmem>>, vector<1x512x128xf32>,
    %add3A_1076 = arith.constant 23 : i32
    %add3A_1077 = arith.addi %mul3A_0, %add3A_1076 : i32
    %sub3A_1078 = arith.constant 2048 : i32
    %sub3A_1079 = arith.subi %sub3A_1078, %add3A_1077 : i32
    %jit3A_1080 = arith.constant 4 : i32
    %div3A_1081 = arith.divsi %sub3A_1079, %jit3A_1080 : i32
    %sign3A_1082 = arith.constant 0 : i32
    %sign3A_1083 = arith.cmpi sgt, %sub3A_1079, %sign3A_1082 : i32
    %sign3A_1084 = arith.extui %sign3A_1083 : i1 to i32
    %sign3A_1085 = arith.constant 0 : i32
    %sign3A_1086 = arith.cmpi slt, %sub3A_1079, %sign3A_1085 : i32
    %sign3A_1087 = arith.extui %sign3A_1086 : i1 to i32
    %sign3A_1088 = arith.subi %sign3A_1084, %sign3A_1087 : i32
    %sign3A_1089 = arith.constant 0 : i32
    %sign3A_1090 = arith.cmpi sgt, %jit3A_1080, %sign3A_1089 : i32
    %sign3A_1091 = arith.extui %sign3A_1090 : i1 to i32
    %sign3A_1092 = arith.constant 0 : i32
    %sign3A_1093 = arith.cmpi slt, %jit3A_1080, %sign3A_1092 : i32
    %sign3A_1094 = arith.extui %sign3A_1093 : i1 to i32
    %sign3A_1095 = arith.subi %sign3A_1091, %sign3A_1094 : i32
    %ne3A_1096 = arith.cmpi ne, %sign3A_1088, %sign3A_1095 : i32
    %rem3A_1097 = arith.remsi %sub3A_1079, %jit3A_1080 : i32
    %ne3A_1098 = arith.constant 0 : i32
    %ne3A_1099 = arith.cmpi ne, %rem3A_1097, %ne3A_1098 : i32
    %and3A_1100 = arith.andi %ne3A_1096, %ne3A_1099 : i1
    %sub3A_1101 = arith.constant 1 : i32
    %sub3A_1102 = arith.subi %div3A_1081, %sub3A_1101 : i32
    %select_n3A_1103 = arith.select %and3A_1100, %sub3A_1102, %div3A_1081 : i32
    %get3A_1104 = arith.index_cast %select_n3A_1103 : i32 to index
    %get3A_1105 = arith.constant 0 : index
    %get3A_1106 = vector.load %arg1[%get3A_1104, %get3A_1105] : memref<1024x128xf32, #tpu.memory_space<vmem>>, vector<512x128xf32>
    %add3A_1107 = arith.constant 1 : i32
    %add3A_1108 = arith.addi %select_n3A_1103, %add3A_1107 : i32
    %get3A_1109 = arith.index_cast %add3A_1108 : i32 to index
    %get3A_1110 = arith.constant 0 : index
    %get3A_1111 = vector.load %arg1[%get3A_1109, %get3A_1110] : memref<1024x128xf32, #tpu.memory_space<vmem>>, vector<512x128xf32>
    %roll3A_1112 = arith.constant 96 : i32
    %roll3A_1113 = tpu.dynamic_rotate %get3A_1106 by %roll3A_1112 dim 1 : vector<512x128xf32>, i32 -> vector<512x128xf32>
    %roll3A_1114 = arith.constant 96 : i32
    %roll3A_1115 = tpu.dynamic_rotate %get3A_1111 by %roll3A_1114 dim 1 : vector<512x128xf32>, i32 -> vector<512x128xf32>
    %iota3A_1116 = tpu.iota {dimensions = array<i32: 1>} : vector<512x128xi32>
    %lt3A_1117 = arith.constant 96 : i32
    %lt3A_1118 = vector.broadcast %lt3A_1117 : i32 to vector<512x128xi32>
    %lt3A_1119 = arith.cmpi slt, %iota3A_1116, %lt3A_1118 : vector<512x128xi32>
    %select_n3A_1120 = arith.select %lt3A_1119, %roll3A_1113, %roll3A_1115 : vector<512x128xi1>, vector<512x128xf32>
    %swap3A_1121 = arith.constant 23 : index
    %swap3A_1122 = arith.constant 0 : index
    %swap3A_1123 = arith.constant 0 : index
    %swap3A_1124 = vector.load %arg2[%swap3A_1121, %swap3A_1122, %swap3A_1123] : memref<32x512x128xf32, #tpu.memory_space<vmem>>, vector<1x512x128xf32>
    %swap3A_1125 = vector.shape_cast %swap3A_1124 : vector<1x512x128xf32> to vector<512x128xf32>
    %swap3A_1126 = vector.shape_cast %select_n3A_1120 : vector<512x128xf32> to vector<1x512x128xf32>
    tpu.vector_store %arg2[%swap3A_1121, %swap3A_1122, %swap3A_1123], %swap3A_1126 {strides = array<i32>} : memref<32x512x128xf32, #tpu.memory_space<vmem>>, vector<1x512x128xf32>,
    %add3A_1127 = arith.constant 24 : i32
    %add3A_1128 = arith.addi %mul3A_0, %add3A_1127 : i32
    %sub3A_1129 = arith.constant 2048 : i32
    %sub3A_1130 = arith.subi %sub3A_1129, %add3A_1128 : i32
    %jit3A_1131 = arith.constant 4 : i32
    %div3A_1132 = arith.divsi %sub3A_1130, %jit3A_1131 : i32
    %sign3A_1133 = arith.constant 0 : i32
    %sign3A_1134 = arith.cmpi sgt, %sub3A_1130, %sign3A_1133 : i32
    %sign3A_1135 = arith.extui %sign3A_1134 : i1 to i32
    %sign3A_1136 = arith.constant 0 : i32
    %sign3A_1137 = arith.cmpi slt, %sub3A_1130, %sign3A_1136 : i32
    %sign3A_1138 = arith.extui %sign3A_1137 : i1 to i32
    %sign3A_1139 = arith.subi %sign3A_1135, %sign3A_1138 : i32
    %sign3A_1140 = arith.constant 0 : i32
    %sign3A_1141 = arith.cmpi sgt, %jit3A_1131, %sign3A_1140 : i32
    %sign3A_1142 = arith.extui %sign3A_1141 : i1 to i32
    %sign3A_1143 = arith.constant 0 : i32
    %sign3A_1144 = arith.cmpi slt, %jit3A_1131, %sign3A_1143 : i32
    %sign3A_1145 = arith.extui %sign3A_1144 : i1 to i32
    %sign3A_1146 = arith.subi %sign3A_1142, %sign3A_1145 : i32
    %ne3A_1147 = arith.cmpi ne, %sign3A_1139, %sign3A_1146 : i32
    %rem3A_1148 = arith.remsi %sub3A_1130, %jit3A_1131 : i32
    %ne3A_1149 = arith.constant 0 : i32
    %ne3A_1150 = arith.cmpi ne, %rem3A_1148, %ne3A_1149 : i32
    %and3A_1151 = arith.andi %ne3A_1147, %ne3A_1150 : i1
    %sub3A_1152 = arith.constant 1 : i32
    %sub3A_1153 = arith.subi %div3A_1132, %sub3A_1152 : i32
    %select_n3A_1154 = arith.select %and3A_1151, %sub3A_1153, %div3A_1132 : i32
    %get3A_1155 = arith.index_cast %select_n3A_1154 : i32 to index
    %get3A_1156 = arith.constant 0 : index
    %get3A_1157 = vector.load %arg1[%get3A_1155, %get3A_1156] : memref<1024x128xf32, #tpu.memory_space<vmem>>, vector<512x128xf32>
    %swap3A_1158 = arith.constant 24 : index
    %swap3A_1159 = arith.constant 0 : index
    %swap3A_1160 = arith.constant 0 : index
    %swap3A_1161 = vector.load %arg2[%swap3A_1158, %swap3A_1159, %swap3A_1160] : memref<32x512x128xf32, #tpu.memory_space<vmem>>, vector<1x512x128xf32>
    %swap3A_1162 = vector.shape_cast %swap3A_1161 : vector<1x512x128xf32> to vector<512x128xf32>
    %swap3A_1163 = vector.shape_cast %get3A_1157 : vector<512x128xf32> to vector<1x512x128xf32>
    tpu.vector_store %arg2[%swap3A_1158, %swap3A_1159, %swap3A_1160], %swap3A_1163 {strides = array<i32>} : memref<32x512x128xf32, #tpu.memory_space<vmem>>, vector<1x512x128xf32>,
    %add3A_1164 = arith.constant 25 : i32
    %add3A_1165 = arith.addi %mul3A_0, %add3A_1164 : i32
    %sub3A_1166 = arith.constant 2048 : i32
    %sub3A_1167 = arith.subi %sub3A_1166, %add3A_1165 : i32
    %jit3A_1168 = arith.constant 4 : i32
    %div3A_1169 = arith.divsi %sub3A_1167, %jit3A_1168 : i32
    %sign3A_1170 = arith.constant 0 : i32
    %sign3A_1171 = arith.cmpi sgt, %sub3A_1167, %sign3A_1170 : i32
    %sign3A_1172 = arith.extui %sign3A_1171 : i1 to i32
    %sign3A_1173 = arith.constant 0 : i32
    %sign3A_1174 = arith.cmpi slt, %sub3A_1167, %sign3A_1173 : i32
    %sign3A_1175 = arith.extui %sign3A_1174 : i1 to i32
    %sign3A_1176 = arith.subi %sign3A_1172, %sign3A_1175 : i32
    %sign3A_1177 = arith.constant 0 : i32
    %sign3A_1178 = arith.cmpi sgt, %jit3A_1168, %sign3A_1177 : i32
    %sign3A_1179 = arith.extui %sign3A_1178 : i1 to i32
    %sign3A_1180 = arith.constant 0 : i32
    %sign3A_1181 = arith.cmpi slt, %jit3A_1168, %sign3A_1180 : i32
    %sign3A_1182 = arith.extui %sign3A_1181 : i1 to i32
    %sign3A_1183 = arith.subi %sign3A_1179, %sign3A_1182 : i32
    %ne3A_1184 = arith.cmpi ne, %sign3A_1176, %sign3A_1183 : i32
    %rem3A_1185 = arith.remsi %sub3A_1167, %jit3A_1168 : i32
    %ne3A_1186 = arith.constant 0 : i32
    %ne3A_1187 = arith.cmpi ne, %rem3A_1185, %ne3A_1186 : i32
    %and3A_1188 = arith.andi %ne3A_1184, %ne3A_1187 : i1
    %sub3A_1189 = arith.constant 1 : i32
    %sub3A_1190 = arith.subi %div3A_1169, %sub3A_1189 : i32
    %select_n3A_1191 = arith.select %and3A_1188, %sub3A_1190, %div3A_1169 : i32
    %get3A_1192 = arith.index_cast %select_n3A_1191 : i32 to index
    %get3A_1193 = arith.constant 0 : index
    %get3A_1194 = vector.load %arg1[%get3A_1192, %get3A_1193] : memref<1024x128xf32, #tpu.memory_space<vmem>>, vector<512x128xf32>
    %add3A_1195 = arith.constant 1 : i32
    %add3A_1196 = arith.addi %select_n3A_1191, %add3A_1195 : i32
    %get3A_1197 = arith.index_cast %add3A_1196 : i32 to index
    %get3A_1198 = arith.constant 0 : index
    %get3A_1199 = vector.load %arg1[%get3A_1197, %get3A_1198] : memref<1024x128xf32, #tpu.memory_space<vmem>>, vector<512x128xf32>
    %roll3A_1200 = arith.constant 32 : i32
    %roll3A_1201 = tpu.dynamic_rotate %get3A_1194 by %roll3A_1200 dim 1 : vector<512x128xf32>, i32 -> vector<512x128xf32>
    %roll3A_1202 = arith.constant 32 : i32
    %roll3A_1203 = tpu.dynamic_rotate %get3A_1199 by %roll3A_1202 dim 1 : vector<512x128xf32>, i32 -> vector<512x128xf32>
    %iota3A_1204 = tpu.iota {dimensions = array<i32: 1>} : vector<512x128xi32>
    %lt3A_1205 = arith.constant 32 : i32
    %lt3A_1206 = vector.broadcast %lt3A_1205 : i32 to vector<512x128xi32>
    %lt3A_1207 = arith.cmpi slt, %iota3A_1204, %lt3A_1206 : vector<512x128xi32>
    %select_n3A_1208 = arith.select %lt3A_1207, %roll3A_1201, %roll3A_1203 : vector<512x128xi1>, vector<512x128xf32>
    %swap3A_1209 = arith.constant 25 : index
    %swap3A_1210 = arith.constant 0 : index
    %swap3A_1211 = arith.constant 0 : index
    %swap3A_1212 = vector.load %arg2[%swap3A_1209, %swap3A_1210, %swap3A_1211] : memref<32x512x128xf32, #tpu.memory_space<vmem>>, vector<1x512x128xf32>
    %swap3A_1213 = vector.shape_cast %swap3A_1212 : vector<1x512x128xf32> to vector<512x128xf32>
    %swap3A_1214 = vector.shape_cast %select_n3A_1208 : vector<512x128xf32> to vector<1x512x128xf32>
    tpu.vector_store %arg2[%swap3A_1209, %swap3A_1210, %swap3A_1211], %swap3A_1214 {strides = array<i32>} : memref<32x512x128xf32, #tpu.memory_space<vmem>>, vector<1x512x128xf32>,
    %add3A_1215 = arith.constant 26 : i32
    %add3A_1216 = arith.addi %mul3A_0, %add3A_1215 : i32
    %sub3A_1217 = arith.constant 2048 : i32
    %sub3A_1218 = arith.subi %sub3A_1217, %add3A_1216 : i32
    %jit3A_1219 = arith.constant 4 : i32
    %div3A_1220 = arith.divsi %sub3A_1218, %jit3A_1219 : i32
    %sign3A_1221 = arith.constant 0 : i32
    %sign3A_1222 = arith.cmpi sgt, %sub3A_1218, %sign3A_1221 : i32
    %sign3A_1223 = arith.extui %sign3A_1222 : i1 to i32
    %sign3A_1224 = arith.constant 0 : i32
    %sign3A_1225 = arith.cmpi slt, %sub3A_1218, %sign3A_1224 : i32
    %sign3A_1226 = arith.extui %sign3A_1225 : i1 to i32
    %sign3A_1227 = arith.subi %sign3A_1223, %sign3A_1226 : i32
    %sign3A_1228 = arith.constant 0 : i32
    %sign3A_1229 = arith.cmpi sgt, %jit3A_1219, %sign3A_1228 : i32
    %sign3A_1230 = arith.extui %sign3A_1229 : i1 to i32
    %sign3A_1231 = arith.constant 0 : i32
    %sign3A_1232 = arith.cmpi slt, %jit3A_1219, %sign3A_1231 : i32
    %sign3A_1233 = arith.extui %sign3A_1232 : i1 to i32
    %sign3A_1234 = arith.subi %sign3A_1230, %sign3A_1233 : i32
    %ne3A_1235 = arith.cmpi ne, %sign3A_1227, %sign3A_1234 : i32
    %rem3A_1236 = arith.remsi %sub3A_1218, %jit3A_1219 : i32
    %ne3A_1237 = arith.constant 0 : i32
    %ne3A_1238 = arith.cmpi ne, %rem3A_1236, %ne3A_1237 : i32
    %and3A_1239 = arith.andi %ne3A_1235, %ne3A_1238 : i1
    %sub3A_1240 = arith.constant 1 : i32
    %sub3A_1241 = arith.subi %div3A_1220, %sub3A_1240 : i32
    %select_n3A_1242 = arith.select %and3A_1239, %sub3A_1241, %div3A_1220 : i32
    %get3A_1243 = arith.index_cast %select_n3A_1242 : i32 to index
    %get3A_1244 = arith.constant 0 : index
    %get3A_1245 = vector.load %arg1[%get3A_1243, %get3A_1244] : memref<1024x128xf32, #tpu.memory_space<vmem>>, vector<512x128xf32>
    %add3A_1246 = arith.constant 1 : i32
    %add3A_1247 = arith.addi %select_n3A_1242, %add3A_1246 : i32
    %get3A_1248 = arith.index_cast %add3A_1247 : i32 to index
    %get3A_1249 = arith.constant 0 : index
    %get3A_1250 = vector.load %arg1[%get3A_1248, %get3A_1249] : memref<1024x128xf32, #tpu.memory_space<vmem>>, vector<512x128xf32>
    %roll3A_1251 = arith.constant 64 : i32
    %roll3A_1252 = tpu.dynamic_rotate %get3A_1245 by %roll3A_1251 dim 1 : vector<512x128xf32>, i32 -> vector<512x128xf32>
    %roll3A_1253 = arith.constant 64 : i32
    %roll3A_1254 = tpu.dynamic_rotate %get3A_1250 by %roll3A_1253 dim 1 : vector<512x128xf32>, i32 -> vector<512x128xf32>
    %iota3A_1255 = tpu.iota {dimensions = array<i32: 1>} : vector<512x128xi32>
    %lt3A_1256 = arith.constant 64 : i32
    %lt3A_1257 = vector.broadcast %lt3A_1256 : i32 to vector<512x128xi32>
    %lt3A_1258 = arith.cmpi slt, %iota3A_1255, %lt3A_1257 : vector<512x128xi32>
    %select_n3A_1259 = arith.select %lt3A_1258, %roll3A_1252, %roll3A_1254 : vector<512x128xi1>, vector<512x128xf32>
    %swap3A_1260 = arith.constant 26 : index
    %swap3A_1261 = arith.constant 0 : index
    %swap3A_1262 = arith.constant 0 : index
    %swap3A_1263 = vector.load %arg2[%swap3A_1260, %swap3A_1261, %swap3A_1262] : memref<32x512x128xf32, #tpu.memory_space<vmem>>, vector<1x512x128xf32>
    %swap3A_1264 = vector.shape_cast %swap3A_1263 : vector<1x512x128xf32> to vector<512x128xf32>
    %swap3A_1265 = vector.shape_cast %select_n3A_1259 : vector<512x128xf32> to vector<1x512x128xf32>
    tpu.vector_store %arg2[%swap3A_1260, %swap3A_1261, %swap3A_1262], %swap3A_1265 {strides = array<i32>} : memref<32x512x128xf32, #tpu.memory_space<vmem>>, vector<1x512x128xf32>,
    %add3A_1266 = arith.constant 27 : i32
    %add3A_1267 = arith.addi %mul3A_0, %add3A_1266 : i32
    %sub3A_1268 = arith.constant 2048 : i32
    %sub3A_1269 = arith.subi %sub3A_1268, %add3A_1267 : i32
    %jit3A_1270 = arith.constant 4 : i32
    %div3A_1271 = arith.divsi %sub3A_1269, %jit3A_1270 : i32
    %sign3A_1272 = arith.constant 0 : i32
    %sign3A_1273 = arith.cmpi sgt, %sub3A_1269, %sign3A_1272 : i32
    %sign3A_1274 = arith.extui %sign3A_1273 : i1 to i32
    %sign3A_1275 = arith.constant 0 : i32
    %sign3A_1276 = arith.cmpi slt, %sub3A_1269, %sign3A_1275 : i32
    %sign3A_1277 = arith.extui %sign3A_1276 : i1 to i32
    %sign3A_1278 = arith.subi %sign3A_1274, %sign3A_1277 : i32
    %sign3A_1279 = arith.constant 0 : i32
    %sign3A_1280 = arith.cmpi sgt, %jit3A_1270, %sign3A_1279 : i32
    %sign3A_1281 = arith.extui %sign3A_1280 : i1 to i32
    %sign3A_1282 = arith.constant 0 : i32
    %sign3A_1283 = arith.cmpi slt, %jit3A_1270, %sign3A_1282 : i32
    %sign3A_1284 = arith.extui %sign3A_1283 : i1 to i32
    %sign3A_1285 = arith.subi %sign3A_1281, %sign3A_1284 : i32
    %ne3A_1286 = arith.cmpi ne, %sign3A_1278, %sign3A_1285 : i32
    %rem3A_1287 = arith.remsi %sub3A_1269, %jit3A_1270 : i32
    %ne3A_1288 = arith.constant 0 : i32
    %ne3A_1289 = arith.cmpi ne, %rem3A_1287, %ne3A_1288 : i32
    %and3A_1290 = arith.andi %ne3A_1286, %ne3A_1289 : i1
    %sub3A_1291 = arith.constant 1 : i32
    %sub3A_1292 = arith.subi %div3A_1271, %sub3A_1291 : i32
    %select_n3A_1293 = arith.select %and3A_1290, %sub3A_1292, %div3A_1271 : i32
    %get3A_1294 = arith.index_cast %select_n3A_1293 : i32 to index
    %get3A_1295 = arith.constant 0 : index
    %get3A_1296 = vector.load %arg1[%get3A_1294, %get3A_1295] : memref<1024x128xf32, #tpu.memory_space<vmem>>, vector<512x128xf32>
    %add3A_1297 = arith.constant 1 : i32
    %add3A_1298 = arith.addi %select_n3A_1293, %add3A_1297 : i32
    %get3A_1299 = arith.index_cast %add3A_1298 : i32 to index
    %get3A_1300 = arith.constant 0 : index
    %get3A_1301 = vector.load %arg1[%get3A_1299, %get3A_1300] : memref<1024x128xf32, #tpu.memory_space<vmem>>, vector<512x128xf32>
    %roll3A_1302 = arith.constant 96 : i32
    %roll3A_1303 = tpu.dynamic_rotate %get3A_1296 by %roll3A_1302 dim 1 : vector<512x128xf32>, i32 -> vector<512x128xf32>
    %roll3A_1304 = arith.constant 96 : i32
    %roll3A_1305 = tpu.dynamic_rotate %get3A_1301 by %roll3A_1304 dim 1 : vector<512x128xf32>, i32 -> vector<512x128xf32>
    %iota3A_1306 = tpu.iota {dimensions = array<i32: 1>} : vector<512x128xi32>
    %lt3A_1307 = arith.constant 96 : i32
    %lt3A_1308 = vector.broadcast %lt3A_1307 : i32 to vector<512x128xi32>
    %lt3A_1309 = arith.cmpi slt, %iota3A_1306, %lt3A_1308 : vector<512x128xi32>
    %select_n3A_1310 = arith.select %lt3A_1309, %roll3A_1303, %roll3A_1305 : vector<512x128xi1>, vector<512x128xf32>
    %swap3A_1311 = arith.constant 27 : index
    %swap3A_1312 = arith.constant 0 : index
    %swap3A_1313 = arith.constant 0 : index
    %swap3A_1314 = vector.load %arg2[%swap3A_1311, %swap3A_1312, %swap3A_1313] : memref<32x512x128xf32, #tpu.memory_space<vmem>>, vector<1x512x128xf32>
    %swap3A_1315 = vector.shape_cast %swap3A_1314 : vector<1x512x128xf32> to vector<512x128xf32>
    %swap3A_1316 = vector.shape_cast %select_n3A_1310 : vector<512x128xf32> to vector<1x512x128xf32>
    tpu.vector_store %arg2[%swap3A_1311, %swap3A_1312, %swap3A_1313], %swap3A_1316 {strides = array<i32>} : memref<32x512x128xf32, #tpu.memory_space<vmem>>, vector<1x512x128xf32>,
    %add3A_1317 = arith.constant 28 : i32
    %add3A_1318 = arith.addi %mul3A_0, %add3A_1317 : i32
    %sub3A_1319 = arith.constant 2048 : i32
    %sub3A_1320 = arith.subi %sub3A_1319, %add3A_1318 : i32
    %jit3A_1321 = arith.constant 4 : i32
    %div3A_1322 = arith.divsi %sub3A_1320, %jit3A_1321 : i32
    %sign3A_1323 = arith.constant 0 : i32
    %sign3A_1324 = arith.cmpi sgt, %sub3A_1320, %sign3A_1323 : i32
    %sign3A_1325 = arith.extui %sign3A_1324 : i1 to i32
    %sign3A_1326 = arith.constant 0 : i32
    %sign3A_1327 = arith.cmpi slt, %sub3A_1320, %sign3A_1326 : i32
    %sign3A_1328 = arith.extui %sign3A_1327 : i1 to i32
    %sign3A_1329 = arith.subi %sign3A_1325, %sign3A_1328 : i32
    %sign3A_1330 = arith.constant 0 : i32
    %sign3A_1331 = arith.cmpi sgt, %jit3A_1321, %sign3A_1330 : i32
    %sign3A_1332 = arith.extui %sign3A_1331 : i1 to i32
    %sign3A_1333 = arith.constant 0 : i32
    %sign3A_1334 = arith.cmpi slt, %jit3A_1321, %sign3A_1333 : i32
    %sign3A_1335 = arith.extui %sign3A_1334 : i1 to i32
    %sign3A_1336 = arith.subi %sign3A_1332, %sign3A_1335 : i32
    %ne3A_1337 = arith.cmpi ne, %sign3A_1329, %sign3A_1336 : i32
    %rem3A_1338 = arith.remsi %sub3A_1320, %jit3A_1321 : i32
    %ne3A_1339 = arith.constant 0 : i32
    %ne3A_1340 = arith.cmpi ne, %rem3A_1338, %ne3A_1339 : i32
    %and3A_1341 = arith.andi %ne3A_1337, %ne3A_1340 : i1
    %sub3A_1342 = arith.constant 1 : i32
    %sub3A_1343 = arith.subi %div3A_1322, %sub3A_1342 : i32
    %select_n3A_1344 = arith.select %and3A_1341, %sub3A_1343, %div3A_1322 : i32
    %get3A_1345 = arith.index_cast %select_n3A_1344 : i32 to index
    %get3A_1346 = arith.constant 0 : index
    %get3A_1347 = vector.load %arg1[%get3A_1345, %get3A_1346] : memref<1024x128xf32, #tpu.memory_space<vmem>>, vector<512x128xf32>
    %swap3A_1348 = arith.constant 28 : index
    %swap3A_1349 = arith.constant 0 : index
    %swap3A_1350 = arith.constant 0 : index
    %swap3A_1351 = vector.load %arg2[%swap3A_1348, %swap3A_1349, %swap3A_1350] : memref<32x512x128xf32, #tpu.memory_space<vmem>>, vector<1x512x128xf32>
    %swap3A_1352 = vector.shape_cast %swap3A_1351 : vector<1x512x128xf32> to vector<512x128xf32>
    %swap3A_1353 = vector.shape_cast %get3A_1347 : vector<512x128xf32> to vector<1x512x128xf32>
    tpu.vector_store %arg2[%swap3A_1348, %swap3A_1349, %swap3A_1350], %swap3A_1353 {strides = array<i32>} : memref<32x512x128xf32, #tpu.memory_space<vmem>>, vector<1x512x128xf32>,
    %add3A_1354 = arith.constant 29 : i32
    %add3A_1355 = arith.addi %mul3A_0, %add3A_1354 : i32
    %sub3A_1356 = arith.constant 2048 : i32
    %sub3A_1357 = arith.subi %sub3A_1356, %add3A_1355 : i32
    %jit3A_1358 = arith.constant 4 : i32
    %div3A_1359 = arith.divsi %sub3A_1357, %jit3A_1358 : i32
    %sign3A_1360 = arith.constant 0 : i32
    %sign3A_1361 = arith.cmpi sgt, %sub3A_1357, %sign3A_1360 : i32
    %sign3A_1362 = arith.extui %sign3A_1361 : i1 to i32
    %sign3A_1363 = arith.constant 0 : i32
    %sign3A_1364 = arith.cmpi slt, %sub3A_1357, %sign3A_1363 : i32
    %sign3A_1365 = arith.extui %sign3A_1364 : i1 to i32
    %sign3A_1366 = arith.subi %sign3A_1362, %sign3A_1365 : i32
    %sign3A_1367 = arith.constant 0 : i32
    %sign3A_1368 = arith.cmpi sgt, %jit3A_1358, %sign3A_1367 : i32
    %sign3A_1369 = arith.extui %sign3A_1368 : i1 to i32
    %sign3A_1370 = arith.constant 0 : i32
    %sign3A_1371 = arith.cmpi slt, %jit3A_1358, %sign3A_1370 : i32
    %sign3A_1372 = arith.extui %sign3A_1371 : i1 to i32
    %sign3A_1373 = arith.subi %sign3A_1369, %sign3A_1372 : i32
    %ne3A_1374 = arith.cmpi ne, %sign3A_1366, %sign3A_1373 : i32
    %rem3A_1375 = arith.remsi %sub3A_1357, %jit3A_1358 : i32
    %ne3A_1376 = arith.constant 0 : i32
    %ne3A_1377 = arith.cmpi ne, %rem3A_1375, %ne3A_1376 : i32
    %and3A_1378 = arith.andi %ne3A_1374, %ne3A_1377 : i1
    %sub3A_1379 = arith.constant 1 : i32
    %sub3A_1380 = arith.subi %div3A_1359, %sub3A_1379 : i32
    %select_n3A_1381 = arith.select %and3A_1378, %sub3A_1380, %div3A_1359 : i32
    %get3A_1382 = arith.index_cast %select_n3A_1381 : i32 to index
    %get3A_1383 = arith.constant 0 : index
    %get3A_1384 = vector.load %arg1[%get3A_1382, %get3A_1383] : memref<1024x128xf32, #tpu.memory_space<vmem>>, vector<512x128xf32>
    %add3A_1385 = arith.constant 1 : i32
    %add3A_1386 = arith.addi %select_n3A_1381, %add3A_1385 : i32
    %get3A_1387 = arith.index_cast %add3A_1386 : i32 to index
    %get3A_1388 = arith.constant 0 : index
    %get3A_1389 = vector.load %arg1[%get3A_1387, %get3A_1388] : memref<1024x128xf32, #tpu.memory_space<vmem>>, vector<512x128xf32>
    %roll3A_1390 = arith.constant 32 : i32
    %roll3A_1391 = tpu.dynamic_rotate %get3A_1384 by %roll3A_1390 dim 1 : vector<512x128xf32>, i32 -> vector<512x128xf32>
    %roll3A_1392 = arith.constant 32 : i32
    %roll3A_1393 = tpu.dynamic_rotate %get3A_1389 by %roll3A_1392 dim 1 : vector<512x128xf32>, i32 -> vector<512x128xf32>
    %iota3A_1394 = tpu.iota {dimensions = array<i32: 1>} : vector<512x128xi32>
    %lt3A_1395 = arith.constant 32 : i32
    %lt3A_1396 = vector.broadcast %lt3A_1395 : i32 to vector<512x128xi32>
    %lt3A_1397 = arith.cmpi slt, %iota3A_1394, %lt3A_1396 : vector<512x128xi32>
    %select_n3A_1398 = arith.select %lt3A_1397, %roll3A_1391, %roll3A_1393 : vector<512x128xi1>, vector<512x128xf32>
    %swap3A_1399 = arith.constant 29 : index
    %swap3A_1400 = arith.constant 0 : index
    %swap3A_1401 = arith.constant 0 : index
    %swap3A_1402 = vector.load %arg2[%swap3A_1399, %swap3A_1400, %swap3A_1401] : memref<32x512x128xf32, #tpu.memory_space<vmem>>, vector<1x512x128xf32>
    %swap3A_1403 = vector.shape_cast %swap3A_1402 : vector<1x512x128xf32> to vector<512x128xf32>
    %swap3A_1404 = vector.shape_cast %select_n3A_1398 : vector<512x128xf32> to vector<1x512x128xf32>
    tpu.vector_store %arg2[%swap3A_1399, %swap3A_1400, %swap3A_1401], %swap3A_1404 {strides = array<i32>} : memref<32x512x128xf32, #tpu.memory_space<vmem>>, vector<1x512x128xf32>,
    %add3A_1405 = arith.constant 30 : i32
    %add3A_1406 = arith.addi %mul3A_0, %add3A_1405 : i32
    %sub3A_1407 = arith.constant 2048 : i32
    %sub3A_1408 = arith.subi %sub3A_1407, %add3A_1406 : i32
    %jit3A_1409 = arith.constant 4 : i32
    %div3A_1410 = arith.divsi %sub3A_1408, %jit3A_1409 : i32
    %sign3A_1411 = arith.constant 0 : i32
    %sign3A_1412 = arith.cmpi sgt, %sub3A_1408, %sign3A_1411 : i32
    %sign3A_1413 = arith.extui %sign3A_1412 : i1 to i32
    %sign3A_1414 = arith.constant 0 : i32
    %sign3A_1415 = arith.cmpi slt, %sub3A_1408, %sign3A_1414 : i32
    %sign3A_1416 = arith.extui %sign3A_1415 : i1 to i32
    %sign3A_1417 = arith.subi %sign3A_1413, %sign3A_1416 : i32
    %sign3A_1418 = arith.constant 0 : i32
    %sign3A_1419 = arith.cmpi sgt, %jit3A_1409, %sign3A_1418 : i32
    %sign3A_1420 = arith.extui %sign3A_1419 : i1 to i32
    %sign3A_1421 = arith.constant 0 : i32
    %sign3A_1422 = arith.cmpi slt, %jit3A_1409, %sign3A_1421 : i32
    %sign3A_1423 = arith.extui %sign3A_1422 : i1 to i32
    %sign3A_1424 = arith.subi %sign3A_1420, %sign3A_1423 : i32
    %ne3A_1425 = arith.cmpi ne, %sign3A_1417, %sign3A_1424 : i32
    %rem3A_1426 = arith.remsi %sub3A_1408, %jit3A_1409 : i32
    %ne3A_1427 = arith.constant 0 : i32
    %ne3A_1428 = arith.cmpi ne, %rem3A_1426, %ne3A_1427 : i32
    %and3A_1429 = arith.andi %ne3A_1425, %ne3A_1428 : i1
    %sub3A_1430 = arith.constant 1 : i32
    %sub3A_1431 = arith.subi %div3A_1410, %sub3A_1430 : i32
    %select_n3A_1432 = arith.select %and3A_1429, %sub3A_1431, %div3A_1410 : i32
    %get3A_1433 = arith.index_cast %select_n3A_1432 : i32 to index
    %get3A_1434 = arith.constant 0 : index
    %get3A_1435 = vector.load %arg1[%get3A_1433, %get3A_1434] : memref<1024x128xf32, #tpu.memory_space<vmem>>, vector<512x128xf32>
    %add3A_1436 = arith.constant 1 : i32
    %add3A_1437 = arith.addi %select_n3A_1432, %add3A_1436 : i32
    %get3A_1438 = arith.index_cast %add3A_1437 : i32 to index
    %get3A_1439 = arith.constant 0 : index
    %get3A_1440 = vector.load %arg1[%get3A_1438, %get3A_1439] : memref<1024x128xf32, #tpu.memory_space<vmem>>, vector<512x128xf32>
    %roll3A_1441 = arith.constant 64 : i32
    %roll3A_1442 = tpu.dynamic_rotate %get3A_1435 by %roll3A_1441 dim 1 : vector<512x128xf32>, i32 -> vector<512x128xf32>
    %roll3A_1443 = arith.constant 64 : i32
    %roll3A_1444 = tpu.dynamic_rotate %get3A_1440 by %roll3A_1443 dim 1 : vector<512x128xf32>, i32 -> vector<512x128xf32>
    %iota3A_1445 = tpu.iota {dimensions = array<i32: 1>} : vector<512x128xi32>
    %lt3A_1446 = arith.constant 64 : i32
    %lt3A_1447 = vector.broadcast %lt3A_1446 : i32 to vector<512x128xi32>
    %lt3A_1448 = arith.cmpi slt, %iota3A_1445, %lt3A_1447 : vector<512x128xi32>
    %select_n3A_1449 = arith.select %lt3A_1448, %roll3A_1442, %roll3A_1444 : vector<512x128xi1>, vector<512x128xf32>
    %swap3A_1450 = arith.constant 30 : index
    %swap3A_1451 = arith.constant 0 : index
    %swap3A_1452 = arith.constant 0 : index
    %swap3A_1453 = vector.load %arg2[%swap3A_1450, %swap3A_1451, %swap3A_1452] : memref<32x512x128xf32, #tpu.memory_space<vmem>>, vector<1x512x128xf32>
    %swap3A_1454 = vector.shape_cast %swap3A_1453 : vector<1x512x128xf32> to vector<512x128xf32>
    %swap3A_1455 = vector.shape_cast %select_n3A_1449 : vector<512x128xf32> to vector<1x512x128xf32>
    tpu.vector_store %arg2[%swap3A_1450, %swap3A_1451, %swap3A_1452], %swap3A_1455 {strides = array<i32>} : memref<32x512x128xf32, #tpu.memory_space<vmem>>, vector<1x512x128xf32>,
    %add3A_1456 = arith.constant 31 : i32
    %add3A_1457 = arith.addi %mul3A_0, %add3A_1456 : i32
    %sub3A_1458 = arith.constant 2048 : i32
    %sub3A_1459 = arith.subi %sub3A_1458, %add3A_1457 : i32
    %jit3A_1460 = arith.constant 4 : i32
    %div3A_1461 = arith.divsi %sub3A_1459, %jit3A_1460 : i32
    %sign3A_1462 = arith.constant 0 : i32
    %sign3A_1463 = arith.cmpi sgt, %sub3A_1459, %sign3A_1462 : i32
    %sign3A_1464 = arith.extui %sign3A_1463 : i1 to i32
    %sign3A_1465 = arith.constant 0 : i32
    %sign3A_1466 = arith.cmpi slt, %sub3A_1459, %sign3A_1465 : i32
    %sign3A_1467 = arith.extui %sign3A_1466 : i1 to i32
    %sign3A_1468 = arith.subi %sign3A_1464, %sign3A_1467 : i32
    %sign3A_1469 = arith.constant 0 : i32
    %sign3A_1470 = arith.cmpi sgt, %jit3A_1460, %sign3A_1469 : i32
    %sign3A_1471 = arith.extui %sign3A_1470 : i1 to i32
    %sign3A_1472 = arith.constant 0 : i32
    %sign3A_1473 = arith.cmpi slt, %jit3A_1460, %sign3A_1472 : i32
    %sign3A_1474 = arith.extui %sign3A_1473 : i1 to i32
    %sign3A_1475 = arith.subi %sign3A_1471, %sign3A_1474 : i32
    %ne3A_1476 = arith.cmpi ne, %sign3A_1468, %sign3A_1475 : i32
    %rem3A_1477 = arith.remsi %sub3A_1459, %jit3A_1460 : i32
    %ne3A_1478 = arith.constant 0 : i32
    %ne3A_1479 = arith.cmpi ne, %rem3A_1477, %ne3A_1478 : i32
    %and3A_1480 = arith.andi %ne3A_1476, %ne3A_1479 : i1
    %sub3A_1481 = arith.constant 1 : i32
    %sub3A_1482 = arith.subi %div3A_1461, %sub3A_1481 : i32
    %select_n3A_1483 = arith.select %and3A_1480, %sub3A_1482, %div3A_1461 : i32
    %get3A_1484 = arith.index_cast %select_n3A_1483 : i32 to index
    %get3A_1485 = arith.constant 0 : index
    %get3A_1486 = vector.load %arg1[%get3A_1484, %get3A_1485] : memref<1024x128xf32, #tpu.memory_space<vmem>>, vector<512x128xf32>
    %add3A_1487 = arith.constant 1 : i32
    %add3A_1488 = arith.addi %select_n3A_1483, %add3A_1487 : i32
    %get3A_1489 = arith.index_cast %add3A_1488 : i32 to index
    %get3A_1490 = arith.constant 0 : index
    %get3A_1491 = vector.load %arg1[%get3A_1489, %get3A_1490] : memref<1024x128xf32, #tpu.memory_space<vmem>>, vector<512x128xf32>
    %roll3A_1492 = arith.constant 96 : i32
    %roll3A_1493 = tpu.dynamic_rotate %get3A_1486 by %roll3A_1492 dim 1 : vector<512x128xf32>, i32 -> vector<512x128xf32>
    %roll3A_1494 = arith.constant 96 : i32
    %roll3A_1495 = tpu.dynamic_rotate %get3A_1491 by %roll3A_1494 dim 1 : vector<512x128xf32>, i32 -> vector<512x128xf32>
    %iota3A_1496 = tpu.iota {dimensions = array<i32: 1>} : vector<512x128xi32>
    %lt3A_1497 = arith.constant 96 : i32
    %lt3A_1498 = vector.broadcast %lt3A_1497 : i32 to vector<512x128xi32>
    %lt3A_1499 = arith.cmpi slt, %iota3A_1496, %lt3A_1498 : vector<512x128xi32>
    %select_n3A_1500 = arith.select %lt3A_1499, %roll3A_1493, %roll3A_1495 : vector<512x128xi1>, vector<512x128xf32>
    %swap3A_1501 = arith.constant 31 : index
    %swap3A_1502 = arith.constant 0 : index
    %swap3A_1503 = arith.constant 0 : index
    %swap3A_1504 = vector.load %arg2[%swap3A_1501, %swap3A_1502, %swap3A_1503] : memref<32x512x128xf32, #tpu.memory_space<vmem>>, vector<1x512x128xf32>
    %swap3A_1505 = vector.shape_cast %swap3A_1504 : vector<1x512x128xf32> to vector<512x128xf32>
    %swap3A_1506 = vector.shape_cast %select_n3A_1500 : vector<512x128xf32> to vector<1x512x128xf32>
    tpu.vector_store %arg2[%swap3A_1501, %swap3A_1502, %swap3A_1503], %swap3A_1506 {strides = array<i32>} : memref<32x512x128xf32, #tpu.memory_space<vmem>>, vector<1x512x128xf32>,
    return
  }
  func.func @transform_0(%arg0: i32) -> (i32, i32) {
    %c0_i32 = arith.constant 0 : i32
    %c0_i32_0 = arith.constant 0 : i32
    %c0_i32_1 = arith.constant 0 : i32
    return %c0_i32, %c0_i32_0 : i32, i32
  }
  func.func @transform_1(%arg0: i32) -> (i32, i32, i32) {
    %c0_i32 = arith.constant 0 : i32
    %c0_i32_0 = arith.constant 0 : i32
    %c0_i32_1 = arith.constant 0 : i32
    return %arg0, %c0_i32, %c0_i32_0 : i32, i32, i32
  }
}

</mosaic_0001>

<sc_bundles>
// kernel: sparse-core-data-format-call.cloned.1.call-start
scs
called_computation_lowered:
.L_overlay_start_0:
0x0: {  	s2 =	sld [smem:$0x3FD9]  }
0x1: {  	s3 =	sld [smem:$0x3FFE];
	_ =	sdelay $0x1  }
0x2: {  	s1 =	srdreg.scid  }
0x3: {  	s0 =	sand.u32 $0x1, s1  }
0x4: {  	s18 =	sshll.u32 s0, $0xA;
	s2 =	sadd.s32 s3, s2  }
0x5: {  	s2 =	sadd.s32 s2, s18  }
0x6: {  	[smem:$0x3FC7] =	sst s2  }
0x7: {  	_ = 	snop  }
0x8: {  	s2 =	sld [smem:$0x3FD0];
	(tm) =	ssettm $0x1  }
0x9: {  	s19 =	sld [smem:$0x3FFB];
	_ =	sdelay $0x3  }
0xa: {  	_ =	strace s19  }
0xb: {  	s3 =	sld [smem:$0x3FFC];
	_ =	sdelay $0x3  }
0xc: {  	_ =	strace s3  }
0xd: {  	s3 =	sld [smem:$0x3FFD];
	_ =	sdelay $0x3  }
0xe: {  	_ =	strace s3  }
0xf: {  	_ =	strace $0x8FFFFFFF  }
0x10: {  	s20 =	sld [smem:$0x3FDB];
	_ =	sdelay $0x1  }
0x11: {  	s4 =	simm.s32 $_scs_section_size  }
0x12: {  	s5 =	simm.s32 $_size__tile_overlayer_lowered;
	s6 =	simm.s32 $_tile_overlayer_lowered  }
0x13: {  	s23 =	simm.s32 $0x1BFF;
	s22 =	sshll.u32 s6, $0x1;
	s3 =	sadd.s32 s4, s20  }
0x14: {  	s7 =	simm.s32 $0x0;
	s21 =	sshll.u32 s5, $0x1;
	s5 =	sadd.s32 s22, s3  }
0x15: {  	[timem:s7], [sflag:s23] =	dma.local [hbm:s5], s21  }
0x16: {  	_ =	swait.ge [sflag:s23], s21  }
0x17: {  	s4 =	ssub.s32 $0x0, s21;
	[sflag:s23] =	ssyncset.done $0x0  }
0x18: {  	[sflag:s23] =	ssyncadd.s32 s4;
	_ =	sdelay $0x1  }
0x19: {  	s24 =	simm.s32 $0x1B8B  }
0x1a: {  	_ =	swait.ge [sflag:s24], $0x1  }
0x1b: {  	[sflag:s24] =	ssyncset.done $0x0  }
0x1c: {  	s26 =	simm.s32 $0x1B8E;
	s25 =	sld [smem:$0x3FFE];
	[sflag:s24] =	ssyncadd.s32 $0xFFFFFFFF  }
0x1d: {  	s27 =	simm.s32 $execute0_lowered;
	[smem:$0x3FD2] =	sst s26  }
0x1e: {  	s5 =	sshll.u32 s27, $0x1;
	_ =	strace $0x80000046;
	[dreg:$0x1] =	wrdreg $0xFFFFFFFF  }
0x1f: {  	s28 =	simm.s32 $_size_execute0_lowered;
	s3 =	sadd.s32 s3, s5;
	[dreg:$0x0] =	wrdreg $0x0  }
0x20: {  	s5 =	sshll.u32 s28, $0x1;
	[dreg:$0x2] =	wrdreg s3  }
0x21: {  	[dreg:$0x3] =	wrdreg s5  }
0x22: {  	[dreg:$0x4] =	wrdreg $0xC0  }
0x23: {  	_ =	task [dreg:s7], $0x5FFFF  }
0x24: {  	[dreg:$0x1] =	wrdreg $0xFFFFFFFF  }
0x25: {  	[dreg:$0x0] =	wrdreg $0x60  }
0x26: {  	[dreg:$0x2] =	wrdreg s25  }
0x27: {  	[dreg:$0x3] =	wrdreg s2  }
0x28: {  	[dreg:$0x4] =	wrdreg $0x9  }
0x29: {  	_ =	task.clear_ibuf [dreg:s7], $0x5FFFF;
	_ =	strace $0x90000046  }
0x2a: {  	s29 =	simm.s32 $0x9;
	_ =	strace $0x80000048  }
0x2b: {  	_ =	swait.ge [sflag:s29], $0x1  }
0x2c: {  	[sflag:s29] =	ssyncadd.s32 $0xFFFFFFFF  }
0x2d: {  	_ =	strace $0x90000048  }
0x2e: {  	_ =	sfence  }
0x2f: {  	s30 =	sld [smem:$0x0];
	_ =	sdelay $0x2  }
0x30: {  	s31 =	sshll.u32 s1, $0xD;
	s1 =	sshrl.u32 s1, $0x2  }
0x31: {  	s3 =	sand.u32 $0x4000, s31;
	s1 =	sadd.s32 s1, s30  }
0x32: {  	s0 =	sor.u32 s3, s0;
	s1 =	sshll.u32 s1, $0x11  }
0x33: {  	s0 =	sor.u32 s1, s0  }
0x34: {  	s0 =	sadd.s32 $0x8F2B, s0  }
0x35: {  	[sflag:s0] =	ssyncadd.remote.s32 $0x1  }
0x36: {  	_ =	sfence.sel $0xFFFF  }
0x37: {  	[dreg:$0x0] =	wrdreg $0xFFFFFFFF;
	(pc) =	sbr.abs _section_cstart, $3  }
0x38: {  	[dreg:$0x1] =	wrdreg $0xFFFFFFFF  }
0x39: {  	_ =	task.clear_ibuf [dreg:s7], $0x2FFFF;
	_ =	strace $0x9FFFFFFF  }
0x3a: {  	(tm) =	ssettm $0x7FFFFFFF  }
0x3b: {  	_ =	shalt  }
tec
execute0_lowered:
.L_overlay_start_1:
0x0: {  	(tag) =	ssettag $0x1  }
0x1: {  	s0 =	stileid.u32;
	s3 =	srdreg.scid  }
0x2: {  	s2 =	rddreg [dreg:$0x0];
	s6 =	simm.s32 $0x1;
	s31 =	simm.s32 $0x2  }
0x3: {  	s14 =	simm.s32 $0x0;
	s9 =	simm.s32 $0x10000;
	s1 =	sshll.u32 s0, $0x7  }
0x4: {  	s16 =	simm.s32 $0x0;
	s15 =	simm.s32 $0x0;
	s4 =	ssub.s32 $0x800, s1  }
0x5: {  	s10 =	simm.s32 $0x0;
	s3 =	sand.u32 $0x1, s3;
	s5 =	sand.u32 $0x780, s4  }
0x6: {  	s13 =	simm.s32 $0x0;
	s7 =	ssub.s32 $0x20, s3;
	p0 =	sne.s32 s5, $0x0  }
0x7: {  	s4 =	sshrl.u32 s4, $0xB;
	s8 =	sshrl.u32 s7, $0x1;
	s6 =	simm.s32 @!p0 $0x0  }
.Ltmp0:
0x8: {  	s7 =	ssub.s32 s7, s8;
	s6 =	sadd.s32 s6, s4;
	(pc) =	sbr.rel .LBB1_1-.Ltmp0, $4  }
0x9: {  	s11 =	smov.u32 s3;
	s5 =	rddreg [dreg:$0x1];
	s7 =	smul.u32 s6, s7  }
0xa: {  	s4 =	rddreg [dreg:$0x2];
	_ =	strace $0x80000047;
	s6 =	simm.s32 $0x1  }
0xb: {  	s12 =	smov.u32 s1;
	[sflag:s6] =	ssyncpa.u1 $0x0;
	s7 =	sshll.u32 s7, $0x4  }
0xc: {  	p0 =	por $0x0, $0x0;
	[sflag:s31] =	ssyncpa.u1 $0x0;
	s8 =	sor.u32 $0x1, s7  }
.LBB1_4:
0xd: {  	v5 =	vld [tilespmem:s19+$0xFFFFFFD0];
	[tilespmem:s20+$0x2040 ss:$0x81] =	vst.msk $0xffff, v1  }
0xe: {  	v58 =	vld [tilespmem:s19+$0xFFFFFFE0];
	[tilespmem:s20+$0x2850 ss:$0x81] =	vst.msk $0xffff, v2  }
0xf: {  	s21 =	sshra.s32 s21, $0x2;
	v59 =	vld [tilespmem:s19+$0xFFFFFFF0];
	[tilespmem:s20+$0x3060 ss:$0x81] =	vst.msk $0xffff, v3  }
0x10: {  	v60 =	vld [tilespmem:s19+$0x0];
	[tilespmem:s20+$0x0 ss:$0x81] =	vst.msk $0xffff, v0;
	s18 =	sadd.s32 s21, s18  }
0x11: {  	v61 =	vld [tilespmem:s19+$0x10];
	s26 =	sshll.u32 s16, $0xB;
	[tilespmem:s18+$0x3870 ss:$0x81] =	vst.msk $0xffff, v4  }
0x12: {  	v62 =	vld [tilespmem:s19+$0x20];
	s27 =	sand.u32 $0x78, s15;
	s22 =	sshll.u32 s15, $0x3;
	s29 =	sshll.u32 s16, $0x7;
	[tilespmem:s18+$0x810 ss:$0x81] =	vst.msk $0xffff, v5  }
0x13: {  	v63 =	vld [tilespmem:s19+$0xFFFFFFC0];
	s14 =	sshll.u32 s14, $0xD;
	s20 =	sand.u32 $0xC000, s26;
	s28 =	sand.u32 $0xFC00, s22;
	[tilespmem:s18+$0x1020 ss:$0x81] =	vst.msk $0xffff, v58  }
0x14: {  	s31 =	sand.u32 $0x7, s15;
	s22 =	sand.u32 $0x400, s22;
	s19 =	sadd.s32 s28, s20;
	[tilespmem:s18+$0x1830 ss:$0x81] =	vst.msk $0xffff, v59  }
0x15: {  	s16 =	sand.u32 $0x380, s29;
	s30 =	sor.u32 s27, s22;
	s19 =	sshrl.u32 s19, $0x3;
	[tilespmem:s18+$0x2040 ss:$0x81] =	vst.msk $0xffff, v60  }
0x16: {  	s14 =	sadd.s32 s5, s14;
	s16 =	sor.u32 s16, s30;
	s19 =	sand.u32 $0x1F00, s19;
	[tilespmem:s18+$0x2850 ss:$0x81] =	vst.msk $0xffff, v61  }
0x17: {  	s15 =	sshll.u32 s31, $0x12;
	s16 =	sshrl.u32 s16, $0x3;
	[tilespmem:s18+$0x3060 ss:$0x81] =	vst.msk $0xffff, v62;
	s14 =	sadd.s32 s19, s14  }
0x18: {  	s15 =	sor.u32 $0x80, s15;
	[tilespmem:s18+$0x0 ss:$0x81] =	vst.msk $0xffff, v63;
	s14 =	sadd.s32 s16, s14  }
0x19: {  	[hbm4b:s14+s15] =	stream.strided.scatter [tilespmem:s17], [sflag:$0x2], $0x4000, s9, s15, $0x20;
	[tilespmem:$0x10100] =	vst v63  }
.LBB1_5:
0x1a: {  	s17 =	sadd.s32 $0x80, s10  }
0x1b: {  	s14 =	sadd.s32 $0x2, s11;
	s18 =	smov.u32 s11;
	p2 =	sgt.s32 s17, $0x7FF  }
0x1c: {  	s18 =	smov.u32 @p2 s14  }
0x1d: {  	s20 =	smov.u32 s12;
	s14 =	sadd.s32 $0x800, s12;
	p3 =	sgt.s32 s18, $0x1F  }
0x1e: {  	s20 =	smov.u32 @p3 s14  }
0x1f: {  	s17 =	simm.s32 @p2 $0x0;
	p2 =	sgt.s32 s20, $0x7FF  }
0x20: {  	p1 =	slt.u32 s13, $0x2;
	s20 =	smov.u32 @p2 s1;
	p2 =	sne.s32 s13, s8  }
.Ltmp1:
0x21: {  	s19 =	simm.s32 @!p1 $0x2;
	(pc) =	sbr.rel @!p2 .LBB1_6-.Ltmp1, $4  }
0x22: {  	s16 =	smov.u32 s11;
	s15 =	smov.u32 s12;
	_ =	swait.ge @!p1 [sflag:s19], $0x4000  }
0x23: {  	p0 =	por !p0, !p0;
	[sflag:s19] =	ssyncset.done @!p1 $0x0;
	s18 =	smov.u32 @p3 s3  }
0x24: {  	s14 =	smov.u32 s10;
	[sflag:s19] =	ssyncadd.s32 @!p1 $0xFFFFC000;
	s10 =	smov.u32 s17  }
0x25: {  	s11 =	smov.u32 s18;
	s13 =	sadd.s32 $0x1, s13;
	s12 =	smov.u32 s20  }
.LBB1_1:
0x26: {  	p1 =	sge.u32 s13, s7;
	s31 =	sadd.s32 $0xFFFFFFFF, s13  }
0x27: {  	s17 =	sxor.u32 @!p1 $0xFFFFFFFF, s13;
	s18 =	sand.u32 @!p1 $0x78, s10;
	s19 =	sshll.u32 @!p1 s11, $0xB  }
0x28: {  	s20 =	sshll.u32 @!p1 s11, $0x7;
	s21 =	sshll.u32 @!p1 s10, $0x3;
	s17 =	sshll.u32 @!p1 s17, $0xE  }
0x29: {  	s19 =	sand.u32 @!p1 $0xC000, s19;
	s20 =	sand.u32 @!p1 $0x380, s20;
	s17 =	sand.u32 @!p1 $0x4000, s17  }
0x2a: {  	s19 =	sadd.s32 @!p1 s19, s21;
	s21 =	sand.u32 @!p1 $0x400, s21;
	s18 =	sor.u32 @!p1 s20, s18  }
0x2b: {  	s20 =	sshll.u32 @!p1 s12, $0xD;
	s18 =	sor.u32 @!p1 s21, s18;
	s19 =	sshrl.u32 @!p1 s19, $0x3  }
0x2c: {  	s20 =	sadd.s32 @!p1 s2, s20;
	s21 =	sand.u32 @!p1 $0x7, s10;
	s19 =	sand.u32 @!p1 $0x1F00, s19  }
0x2d: {  	s18 =	sshrl.u32 @!p1 s18, $0x3;
	s19 =	sadd.s32 @!p1 s19, s20;
	s20 =	sshll.u32 @!p1 s21, $0x12  }
0x2e: {  	s18 =	sadd.s32 @!p1 s18, s19;
	s19 =	sor.u32 @!p1 $0x80, s20;
	s20 =	simm.s32 @!p1 $0x10000  }
0x2f: {  	[tilespmem:s17], [sflag:$0x1] =	stream.strided.gather @!p1 [hbm4b:s18+s19], $0x4000, s20, s19, $0x38;
	[tilespmem:$0x10100] =	vst v63  }
0x30: {  	p1 =	sge.u32 s31, s7  }
.Ltmp2:
0x31: {  	_ = 	snop;
	(pc) =	sbr.rel @p1 .LBB1_5-.Ltmp2, $1  }
0x32: {  	_ =	sdelay $0x3  }
0x33: {  	s17 =	simm.s32 $0x1  }
0x34: {  	_ =	swait.ge [sflag:s6], $0x4000;
	s17 =	simm.s32 @!p0 $0x0  }
0x35: {  	[sflag:s6] =	ssyncset.done $0x0;
	s18 =	sshll.u32 s17, $0xE  }
0x36: {  	[sflag:s6] =	ssyncadd.s32 $0xFFFFC000;
	s19 =	sor.u32 $0x40, s18  }
0x37: {  	s17 =	smul.u32 $0x10200, s17;
	v0 =	vld [tilespmem:s19+$0x30]  }
0x38: {  	v3 =	vld [tilespmem:s19+$0xFFFFFFD0]  }
0x39: {  	s17 =	sshrl.u32 s17, $0x2;
	v4 =	vld [tilespmem:s19+$0xFFFFFFE0]  }
0x3a: {  	v5 =	vld [tilespmem:s19+$0xFFFFFFF0];
	s18 =	sor.u32 $0x8000, s17  }
0x3b: {  	s31 =	sand.u32 $0x1, s13;
	v1 =	vld [tilespmem:s19+$0x0];
	s20 =	sadd.s32 $0x0, s18  }
0x3c: {  	v2 =	vld [tilespmem:s19+$0x10];
	s17 =	smul.u32 $0x10200, s31;
	[tilespmem:s20+$0x3870 ss:$0x81] =	vst.msk $0xffff, v0  }
0x3d: {  	[tilespmem:s20+$0x810 ss:$0x81] =	vst.msk $0xffff, v3;
	v3 =	vld [tilespmem:s19+$0x20]  }
0x3e: {  	s17 =	sshrl.u32 s17, $0x2;
	v0 =	vld [tilespmem:s19+$0xFFFFFFC0];
	[tilespmem:s20+$0x1020 ss:$0x81] =	vst.msk $0xffff, v4;
	s19 =	sadd.s32 $0x80, s19  }
0x3f: {  	s21 =	simm.s32 $0x4;
	s22 =	simm.s32 $0x8;
	s17 =	sor.u32 $0x8000, s17;
	[tilespmem:s20+$0x1830 ss:$0x81] =	vst.msk $0xffff, v5;
	v4 =	vld [tilespmem:s19+$0x30]  }
.LBB1_3:
0x40: {  	p1 =	sne.s32 s22, $0x1FC;
	v5 =	vld [tilespmem:s19+$0xFFFFFFD0];
	[tilespmem:s20+$0x2040 ss:$0x81] =	vst.msk $0xffff, v1  }
0x41: {  	v6 =	vld [tilespmem:s19+$0xFFFFFFE0];
	[tilespmem:s20+$0x2850 ss:$0x81] =	vst.msk $0xffff, v2  }
0x42: {  	s23 =	sshra.s32 s21, $0x2;
	s21 =	smov.u32 s22;
	v7 =	vld [tilespmem:s19+$0xFFFFFFF0];
	[tilespmem:s20+$0x3060 ss:$0x81] =	vst.msk $0xffff, v3  }
.Ltmp3:
0x43: {  	v1 =	vld [tilespmem:s19+$0x0];
	[tilespmem:s20+$0x0 ss:$0x81] =	vst.msk $0xffff, v0;
	s20 =	sadd.s32 s23, s18;
	(pc) =	sbr.rel @p1 .LBB1_3-.Ltmp3, $4  }
0x44: {  	v2 =	vld [tilespmem:s19+$0x10];
	[tilespmem:s20+$0x3870 ss:$0x81] =	vst.msk $0xffff, v4  }
0x45: {  	[tilespmem:s20+$0x810 ss:$0x81] =	vst.msk $0xffff, v5;
	v3 =	vld [tilespmem:s19+$0x20]  }
0x46: {  	v0 =	vld [tilespmem:s19+$0xFFFFFFC0];
	[tilespmem:s20+$0x1020 ss:$0x81] =	vst.msk $0xffff, v6;
	s19 =	sadd.s32 $0x80, s19  }
0x47: {  	s22 =	sadd.s32 $0x4, s22;
	v4 =	vld [tilespmem:s19+$0x30];
	[tilespmem:s20+$0x1830 ss:$0x81] =	vst.msk $0xffff, v7  }
.Ltmp4:
0x48: {  	_ = 	snop;
	(pc) =	sbr.rel .LBB1_4-.Ltmp4, $1  }
0x49: {  	_ =	sdelay $0x3  }
.LBB1_6:
0x4a: {  	_ =	sfence.sel $0x180000  }
0x4b: {  	s1 =	simm.s32 $0x1;
	[bflag:$0x0] =	sbarrier.arrive $0xFFFF  }
0x4c: {  	s31 =	simm.s32 $0x2;
	[sflag:s1] =	ssyncpa.u1 $0x1  }
0x4d: {  	[sflag:s31] =	ssyncpa.u1 $0x1  }
0x4e: {  	p0 =	sne.s32 s0, $0x0;
	_ =	strace $0x90000047  }
0x4f: {  	s0 =	sadd.s32 @!p0 $0x100000, s4;
	[bflag:$0x2] =	sbarrier.arrive $0xFFFF  }
0x50: {  	[sflag:s0] =	ssyncadd.tile.s32 @!p0 $0x1;
	_ =	shalt  }
.Lfunc_end1:
_tile_overlayer_lowered:
.L_overlay_start_2:
0x51: {  	(tag) =	ssettag $0x2  }
0x52: {  	s0 =	rddreg [dreg:$0x0];
	s2 =	stileid.u32  }
0x53: {  	s1 =	rddreg [dreg:$0x1];
	p0 =	sne.s32 s2, $0x0  }
0x54: {  	s3 =	rddreg [dreg:$0x2];
	[bflag:$0x3] =	sbarrier.arrive $0xFFFF;
	s2 =	simm.s32 @!p0 $0x1C01  }
0x55: {  	[timem:s3], [sflag:s2] =	dma.local @!p0 [hbm:s0], s1  }
0x56: {  	s0 =	simm.s32 @!p0 $0x1  }
0x57: {  	_ =	swait.ge @!p0 [sflag:s0], s1  }
0x58: {  	s1 =	ssub.s32 @!p0 $0x0, s1;
	[sflag:s0] =	ssyncset.done @!p0 $0x0  }
0x59: {  	[sflag:s0] =	ssyncadd.s32 @!p0 s1  }
0x5a: {  	[bflag:$0x3] =	sbarrier.arrive $0xFFFF  }
0x5b: {  	_ =	shalt  }

</sc_bundles>
